<compile_context>
chip_gen: v7x
topology: tpu7x:2x2x1
jax: 0.10.2.dev20260603
libtpu: 0.0.44.dev20260713+nightly
codegen_flags: <defaults>
</compile_context>

<pallas_src>
import functools

import jax
import jax.numpy as jnp
from jax import lax
from jax.experimental import pallas as pl
from jax.experimental.pallas import tpu as pltpu
from jax.experimental.pallas import tpu_sc as plsc

N_PERIODS = 20
N_USERS = 100000
N_ITEMS = 100000
D = 32
B = 16384
NC = 2
NS = 16
NW = NC * NS
BPW = B // NW
G = BPW // 16

NROWS = N_USERS * N_PERIODS
RTILES = NROWS // 128
ABLK = RTILES * 8 * 128
ITILES = (N_ITEMS + 127) // 128
IBLK = ITILES * 8 * 128

_mesh = plsc.VectorSubcoreMesh(core_axis_name="c", subcore_axis_name="s")


@functools.partial(
    pl.kernel,
    mesh=_mesh,
    out_type=jax.ShapeDtypeStruct((B,), jnp.float32),
    scratch_types=[
        pltpu.VMEM((BPW,), jnp.int32),
        pltpu.VMEM((BPW,), jnp.int32),
        pltpu.VMEM((BPW,), jnp.int32),
        pltpu.VMEM((D * BPW,), jnp.int32),
        pltpu.VMEM((D * BPW,), jnp.int32),
        pltpu.VMEM((D * BPW,), jnp.float32),
        pltpu.VMEM((D * BPW,), jnp.float32),
        pltpu.VMEM((BPW,), jnp.float32),
        pltpu.VMEM((BPW,), jnp.float32),
        pltpu.VMEM((32,), jnp.float32),
        pltpu.VMEM((16,), jnp.float32),
        pltpu.VMEM((BPW,), jnp.float32),
        pltpu.SemaphoreType.DMA,
    ],
    compiler_params=pltpu.CompilerParams(use_tc_tiling_on_sc=False, disable_bounds_checks=True, skip_device_barrier=True),
)
def _tmf_sc(user_h, item_h, age_h, uflat_h, iflat_h, gt_h, b_h, bu_h, bi_h,
            out_h, u_v, it_v, age_v, fiu_v, fii_v, uvals, ivals, bu_v, bi_v,
            gtg_v, b_v, out_v, sem):
    wid = lax.axis_index("s") * NC + lax.axis_index("c")
    base = wid * BPW

    pltpu.sync_copy(user_h.at[pl.ds(base, BPW)], u_v)
    pltpu.sync_copy(item_h.at[pl.ds(base, BPW)], it_v)
    pltpu.sync_copy(age_h.at[pl.ds(base, BPW)], age_v)
    pltpu.sync_copy(b_h, b_v)

    pltpu.sync_copy(gt_h, gtg_v.at[pl.ds(0, N_PERIODS)])
    c_bu = pltpu.async_copy(bu_h.at[u_v], bu_v, sem)
    c_bi = pltpu.async_copy(bi_h.at[it_v], bi_v, sem)

    @plsc.parallel_loop(0, BPW, 16, unroll=2)
    def item_idx_body(gb):
        ds = pl.ds(gb, 16)
        it16 = it_v[ds]
        qi = ((it16 >> 7) << 10) + (it16 & 127)
        for d in range(D):
            fii_v[pl.ds(d * BPW + gb, 16)] = (
                qi + ((d // 8) * IBLK + (d % 8) * 128))

    c_iv = pltpu.async_copy(iflat_h.at[fii_v], ivals, sem)

    @plsc.parallel_loop(0, BPW, 16, unroll=2)
    def user_idx_body(gb):
        ds = pl.ds(gb, 16)
        r = u_v[ds] * N_PERIODS + age_v[ds]
        q = ((r >> 7) << 10) + (r & 127)
        for d in range(D):
            fiu_v[pl.ds(d * BPW + gb, 16)] = (
                q + ((d // 8) * ABLK + (d % 8) * 128))

    c_uv = pltpu.async_copy(uflat_h.at[fiu_v], uvals, sem)

    c_bu.wait()
    c_bi.wait()
    c_iv.wait()
    c_uv.wait()

    gt0 = gtg_v[pl.ds(0, 16)]
    gt1 = gtg_v[pl.ds(16, 16)]

    @plsc.parallel_loop(0, BPW, 16, unroll=2)
    def dot_body(gb):
        ds = pl.ds(gb, 16)
        age16 = age_v[ds]
        v0 = gt0.at[age16 & 15].get(mode="promise_in_bounds")
        v1 = gt1.at[age16 & 15].get(mode="promise_in_bounds")
        gtv = jnp.where(age16 < 16, v0, v1)
        acc = gtv + b_v[...] + bu_v[ds] + bi_v[ds]
        for d in range(D):
            acc = acc + uvals[pl.ds(d * BPW + gb, 16)] * ivals[pl.ds(d * BPW + gb, 16)]
        out_v[ds] = acc

    pltpu.sync_copy(out_v, out_h.at[pl.ds(base, BPW)])


def kernel(user, item, itemage, user_Dyn_embedding, item_embedding,
           global_T, b, b_u, b_i):
    uflat = (user_Dyn_embedding.T
             .reshape(4, 8, RTILES, 128)
             .transpose(0, 2, 1, 3)
             .reshape(-1))
    ipad = jnp.pad(item_embedding, ((0, ITILES * 128 - N_ITEMS), (0, 0)))
    iflat = (ipad.T
             .reshape(4, 8, ITILES, 128)
             .transpose(0, 2, 1, 3)
             .reshape(-1))
    b16 = jnp.broadcast_to(b.reshape(-1), (16,))
    return _tmf_sc(user.astype(jnp.int32), item.astype(jnp.int32),
                   itemage.astype(jnp.int32), uflat, iflat,
                   global_T.reshape(-1), b16,
                   b_u.reshape(-1), b_i.reshape(-1))

# --- scband reference (transcript-rebuilt; emitter-appended) ---
"""Pipeline reference for scband-tmf-82669530513831 (READ-ONLY COPY).

The authoritative reference and input builder live on the scoring server;
editing this copy changes nothing except your own understanding.
"""

import jax, jax.numpy as jnp
import numpy as np

N_USERS = 100000
N_ITEMS = 100000
N_PERIODS = 20
D = 32
B = 16384


def setup_inputs(seed: int = 0) -> dict:
    key = jax.random.key(seed)
    ks = jax.random.split(key, 9)
    user = jax.random.randint(ks[0], (B,), 0, N_USERS)
    item = jax.random.randint(ks[1], (B,), 0, N_ITEMS)
    itemage = jax.random.randint(ks[2], (B,), 0, N_PERIODS)
    user_Dyn_embedding = jax.random.normal(ks[3], (N_USERS * N_PERIODS, D), dtype=jnp.float32) * 0.05
    item_embedding = jax.random.normal(ks[4], (N_ITEMS, D), dtype=jnp.float32) * 0.05
    global_T = jax.random.normal(ks[5], (N_PERIODS, 1), dtype=jnp.float32) * 0.05
    b = jnp.zeros((1,), dtype=jnp.float32)
    b_u = jax.random.normal(ks[6], (N_USERS, 1), dtype=jnp.float32) * 0.05
    b_i = jax.random.normal(ks[7], (N_ITEMS, 1), dtype=jnp.float32) * 0.05
    return {
        "user": user,
        "item": item,
        "itemage": itemage,
        "user_Dyn_embedding": user_Dyn_embedding,
        "item_embedding": item_embedding,
        "global_T": global_T,
        "b": b,
        "b_u": b_u,
        "b_i": b_i,
    }


def reference(user, item, itemage, user_Dyn_embedding, item_embedding, global_T, b, b_u, b_i):
    # get_user_embedding: idx = user * n_periods + itemage; user_Dyn_embedding(idx)
    idx = user * N_PERIODS + itemage
    user_e = jnp.take(user_Dyn_embedding, idx, axis=0)
    item_e = jnp.take(item_embedding, item, axis=0)
    output = jnp.sum(user_e * item_e, axis=-1).astype(jnp.float32)
    output = output \
        + jnp.take(global_T, itemage, axis=0).squeeze(-1) \
        + b \
        + jnp.take(b_u, user, axis=0).squeeze(-1) \
        + jnp.take(b_i, item, axis=0).squeeze(-1)
    # loss_type == 'MSE' -> self.m is None -> return raw output
    return output

if __name__ == "__main__":
    import jax
    _d = setup_inputs()
    print(jax.jit(kernel)(*tuple(_d.values())))

</pallas_src>

<mosaic_0001>
#map = affine_map<(d0, d1) -> (0)>
module attributes {stable_mosaic.version = 14 : i64} {
  func.func @_tmf_sc(%arg0: i32, %arg1: i32, %arg2: memref<16384xi32, #tpu.memory_space<hbm>>, %arg3: memref<16384xi32, #tpu.memory_space<hbm>>, %arg4: memref<16384xi32, #tpu.memory_space<hbm>>, %arg5: memref<64000000xf32, #tpu.memory_space<hbm>>, %arg6: memref<3203072xf32, #tpu.memory_space<hbm>>, %arg7: memref<20xf32, #tpu.memory_space<hbm>>, %arg8: memref<16xf32, #tpu.memory_space<hbm>>, %arg9: memref<100000xf32, #tpu.memory_space<hbm>>, %arg10: memref<100000xf32, #tpu.memory_space<hbm>>, %arg11: memref<16384xf32, #tpu.memory_space<hbm>>, %arg12: memref<512xi32, #tpu.memory_space<vmem>>, %arg13: memref<512xi32, #tpu.memory_space<vmem>>, %arg14: memref<512xi32, #tpu.memory_space<vmem>>, %arg15: memref<16384xi32, #tpu.memory_space<vmem>>, %arg16: memref<16384xi32, #tpu.memory_space<vmem>>, %arg17: memref<16384xf32, #tpu.memory_space<vmem>>, %arg18: memref<16384xf32, #tpu.memory_space<vmem>>, %arg19: memref<512xf32, #tpu.memory_space<vmem>>, %arg20: memref<512xf32, #tpu.memory_space<vmem>>, %arg21: memref<32xf32, #tpu.memory_space<vmem>>, %arg22: memref<16xf32, #tpu.memory_space<vmem>>, %arg23: memref<512xf32, #tpu.memory_space<vmem>>, %arg24: memref<!tpu.dma_semaphore, #tpu.memory_space<semaphore_mem>>) attributes {dimension_semantics = [#tpu.dimension_semantics<core_parallel>, #tpu.dimension_semantics<subcore_parallel>], iteration_bounds = array<i64: 2, 16>, scalar_prefetch = 0 : i64, scratch_operands = 13 : i64, tpu.core_type = #tpu.core_type<sc_vector_subcore>, window_params = [{transform_indices = #map}, {transform_indices = #map}, {transform_indices = #map}, {transform_indices = #map}, {transform_indices = #map}, {transform_indices = #map}, {transform_indices = #map}, {transform_indices = #map}, {transform_indices = #map}, {transform_indices = #map}]} {
    %mul3A = arith.constant 2 : i32
    %mul3A_0 = arith.muli %arg1, %mul3A : i32
    %add3A = arith.addi %mul3A_0, %arg0 : i32
    %mul3A_1 = arith.constant 512 : i32
    %mul3A_2 = arith.muli %add3A, %mul3A_1 : i32
    "tpu.region"() ({
      %run_scoped3A = tpu.sem_alloc : memref<!tpu.dma_semaphore, #tpu.memory_space<semaphore_mem>>
      %dma_start3A_30 = tpu.memref_slice %arg2[%mul3A_2] : memref<16384xi32, #tpu.memory_space<hbm>> -> memref<512xi32, #tpu.memory_space<hbm>>
      %dma_start3A_31 = tpu.memref_slice %arg2[%mul3A_2] : memref<16384xi32, #tpu.memory_space<hbm>> -> memref<512xi32, #tpu.memory_space<hbm>>
      tpu.enqueue_dma source(%dma_start3A_31 : memref<512xi32, #tpu.memory_space<hbm>>) target(%arg12 : memref<512xi32, #tpu.memory_space<vmem>>) target_semaphore(%run_scoped3A : memref<!tpu.dma_semaphore, #tpu.memory_space<semaphore_mem>>)
      %dma_wait3A_32 = tpu.memref_slice %arg2[%mul3A_2] : memref<16384xi32, #tpu.memory_space<hbm>> -> memref<512xi32, #tpu.memory_space<hbm>>
      %dma_wait3A_33 = tpu.memref_slice %arg2[%mul3A_2] : memref<16384xi32, #tpu.memory_space<hbm>> -> memref<512xi32, #tpu.memory_space<hbm>>
      tpu.wait_dma2 semaphore(%run_scoped3A : memref<!tpu.dma_semaphore, #tpu.memory_space<semaphore_mem>>) src(%dma_wait3A_33 : memref<512xi32, #tpu.memory_space<hbm>>) dst(%arg12 : memref<512xi32, #tpu.memory_space<vmem>>)
      tpu.yield
    }) : () -> ()
    "tpu.region"() ({
      %run_scoped3A = tpu.sem_alloc : memref<!tpu.dma_semaphore, #tpu.memory_space<semaphore_mem>>
      %dma_start3A_30 = tpu.memref_slice %arg3[%mul3A_2] : memref<16384xi32, #tpu.memory_space<hbm>> -> memref<512xi32, #tpu.memory_space<hbm>>
      %dma_start3A_31 = tpu.memref_slice %arg3[%mul3A_2] : memref<16384xi32, #tpu.memory_space<hbm>> -> memref<512xi32, #tpu.memory_space<hbm>>
      tpu.enqueue_dma source(%dma_start3A_31 : memref<512xi32, #tpu.memory_space<hbm>>) target(%arg13 : memref<512xi32, #tpu.memory_space<vmem>>) target_semaphore(%run_scoped3A : memref<!tpu.dma_semaphore, #tpu.memory_space<semaphore_mem>>)
      %dma_wait3A_32 = tpu.memref_slice %arg3[%mul3A_2] : memref<16384xi32, #tpu.memory_space<hbm>> -> memref<512xi32, #tpu.memory_space<hbm>>
      %dma_wait3A_33 = tpu.memref_slice %arg3[%mul3A_2] : memref<16384xi32, #tpu.memory_space<hbm>> -> memref<512xi32, #tpu.memory_space<hbm>>
      tpu.wait_dma2 semaphore(%run_scoped3A : memref<!tpu.dma_semaphore, #tpu.memory_space<semaphore_mem>>) src(%dma_wait3A_33 : memref<512xi32, #tpu.memory_space<hbm>>) dst(%arg13 : memref<512xi32, #tpu.memory_space<vmem>>)
      tpu.yield
    }) : () -> ()
    "tpu.region"() ({
      %run_scoped3A = tpu.sem_alloc : memref<!tpu.dma_semaphore, #tpu.memory_space<semaphore_mem>>
      %dma_start3A_30 = tpu.memref_slice %arg4[%mul3A_2] : memref<16384xi32, #tpu.memory_space<hbm>> -> memref<512xi32, #tpu.memory_space<hbm>>
      %dma_start3A_31 = tpu.memref_slice %arg4[%mul3A_2] : memref<16384xi32, #tpu.memory_space<hbm>> -> memref<512xi32, #tpu.memory_space<hbm>>
      tpu.enqueue_dma source(%dma_start3A_31 : memref<512xi32, #tpu.memory_space<hbm>>) target(%arg14 : memref<512xi32, #tpu.memory_space<vmem>>) target_semaphore(%run_scoped3A : memref<!tpu.dma_semaphore, #tpu.memory_space<semaphore_mem>>)
      %dma_wait3A_32 = tpu.memref_slice %arg4[%mul3A_2] : memref<16384xi32, #tpu.memory_space<hbm>> -> memref<512xi32, #tpu.memory_space<hbm>>
      %dma_wait3A_33 = tpu.memref_slice %arg4[%mul3A_2] : memref<16384xi32, #tpu.memory_space<hbm>> -> memref<512xi32, #tpu.memory_space<hbm>>
      tpu.wait_dma2 semaphore(%run_scoped3A : memref<!tpu.dma_semaphore, #tpu.memory_space<semaphore_mem>>) src(%dma_wait3A_33 : memref<512xi32, #tpu.memory_space<hbm>>) dst(%arg14 : memref<512xi32, #tpu.memory_space<vmem>>)
      tpu.yield
    }) : () -> ()
    "tpu.region"() ({
      %run_scoped3A = tpu.sem_alloc : memref<!tpu.dma_semaphore, #tpu.memory_space<semaphore_mem>>
      tpu.enqueue_dma source(%arg8 : memref<16xf32, #tpu.memory_space<hbm>>) target(%arg22 : memref<16xf32, #tpu.memory_space<vmem>>) target_semaphore(%run_scoped3A : memref<!tpu.dma_semaphore, #tpu.memory_space<semaphore_mem>>)
      tpu.wait_dma2 semaphore(%run_scoped3A : memref<!tpu.dma_semaphore, #tpu.memory_space<semaphore_mem>>) src(%arg8 : memref<16xf32, #tpu.memory_space<hbm>>) dst(%arg22 : memref<16xf32, #tpu.memory_space<vmem>>)
      tpu.yield
    }) : () -> ()
    "tpu.region"() ({
      %run_scoped3A = tpu.sem_alloc : memref<!tpu.dma_semaphore, #tpu.memory_space<semaphore_mem>>
      %dma_start3A_30 = arith.constant 0 : i32
      %dma_start3A_31 = tpu.memref_slice %arg21[%dma_start3A_30] : memref<32xf32, #tpu.memory_space<vmem>> -> memref<20xf32, #tpu.memory_space<vmem>>
      %dma_start3A_32 = arith.constant 0 : i32
      %dma_start3A_33 = tpu.memref_slice %arg21[%dma_start3A_32] : memref<32xf32, #tpu.memory_space<vmem>> -> memref<20xf32, #tpu.memory_space<vmem>>
      tpu.enqueue_dma source(%arg7 : memref<20xf32, #tpu.memory_space<hbm>>) target(%dma_start3A_33 : memref<20xf32, #tpu.memory_space<vmem>>) target_semaphore(%run_scoped3A : memref<!tpu.dma_semaphore, #tpu.memory_space<semaphore_mem>>)
      %dma_wait3A_34 = arith.constant 0 : i32
      %dma_wait3A_35 = tpu.memref_slice %arg21[%dma_wait3A_34] : memref<32xf32, #tpu.memory_space<vmem>> -> memref<20xf32, #tpu.memory_space<vmem>>
      %dma_wait3A_36 = arith.constant 0 : i32
      %dma_wait3A_37 = tpu.memref_slice %arg21[%dma_wait3A_36] : memref<32xf32, #tpu.memory_space<vmem>> -> memref<20xf32, #tpu.memory_space<vmem>>
      tpu.wait_dma2 semaphore(%run_scoped3A : memref<!tpu.dma_semaphore, #tpu.memory_space<semaphore_mem>>) src(%arg7 : memref<20xf32, #tpu.memory_space<hbm>>) dst(%dma_wait3A_37 : memref<20xf32, #tpu.memory_space<vmem>>)
      tpu.yield
    }) : () -> ()
    %dma_start3A = arith.constant 0 : i32
    %dma_start3A_3 = tpu.memref_slice %arg9[%dma_start3A] : memref<100000xf32, #tpu.memory_space<hbm>> -> memref<100000xf32, #tpu.memory_space<hbm>>
    tpu.enqueue_indirect_dma source(%dma_start3A_3 : memref<100000xf32, #tpu.memory_space<hbm>>) target(%arg19 : memref<512xf32, #tpu.memory_space<vmem>>) offsets(%arg12 : memref<512xi32, #tpu.memory_space<vmem>>) semaphore(%arg24 : memref<!tpu.dma_semaphore, #tpu.memory_space<semaphore_mem>>)
    %dma_start3A_4 = arith.constant 0 : i32
    %dma_start3A_5 = tpu.memref_slice %arg10[%dma_start3A_4] : memref<100000xf32, #tpu.memory_space<hbm>> -> memref<100000xf32, #tpu.memory_space<hbm>>
    tpu.enqueue_indirect_dma source(%dma_start3A_5 : memref<100000xf32, #tpu.memory_space<hbm>>) target(%arg20 : memref<512xf32, #tpu.memory_space<vmem>>) offsets(%arg13 : memref<512xi32, #tpu.memory_space<vmem>>) semaphore(%arg24 : memref<!tpu.dma_semaphore, #tpu.memory_space<semaphore_mem>>)
    %parallel_loop3A = arith.constant 0 : i32
    %parallel_loop3A_6 = arith.constant 512 : i32
    %parallel_loop3A_7 = arith.constant 16 : i32
    scf.for %parallel_loop3A_30 = %parallel_loop3A to %parallel_loop3A_6 step %parallel_loop3A_7  : i32 {
      %parallel_loop3A_31 = arith.index_cast %parallel_loop3A_30 : i32 to index
      %parallel_loop3A_32 = tpu.vector_load %arg13[%parallel_loop3A_31] {strides = array<i32>} : memref<512xi32, #tpu.memory_space<vmem>>, vector<16xi32>,
      %parallel_loop3A_33 = vector.shape_cast %parallel_loop3A_32 : vector<16xi32> to vector<16xi32>
      %parallel_loop3A_34 = arith.constant 7 : i32
      %parallel_loop3A_35 = vector.broadcast %parallel_loop3A_34 : i32 to vector<16xi32>
      %parallel_loop3A_36 = arith.shrsi %parallel_loop3A_33, %parallel_loop3A_35 : vector<16xi32>
      %parallel_loop3A_37 = arith.constant 10 : i32
      %parallel_loop3A_38 = vector.broadcast %parallel_loop3A_37 : i32 to vector<16xi32>
      %parallel_loop3A_39 = arith.shli %parallel_loop3A_36, %parallel_loop3A_38 : vector<16xi32>
      %parallel_loop3A_40 = arith.constant 127 : i32
      %parallel_loop3A_41 = vector.broadcast %parallel_loop3A_40 : i32 to vector<16xi32>
      %parallel_loop3A_42 = arith.andi %parallel_loop3A_33, %parallel_loop3A_41 : vector<16xi32>
      %parallel_loop3A_43 = arith.addi %parallel_loop3A_39, %parallel_loop3A_42 : vector<16xi32>
      %parallel_loop3A_44 = arith.constant 0 : i32
      %parallel_loop3A_45 = vector.broadcast %parallel_loop3A_44 : i32 to vector<16xi32>
      %parallel_loop3A_46 = arith.addi %parallel_loop3A_43, %parallel_loop3A_45 : vector<16xi32>
      %parallel_loop3A_47 = arith.constant 0 : i32
      %parallel_loop3A_48 = arith.addi %parallel_loop3A_47, %parallel_loop3A_30 : i32
      %parallel_loop3A_49 = arith.index_cast %parallel_loop3A_48 : i32 to index
      %parallel_loop3A_50 = tpu.vector_load %arg16[%parallel_loop3A_49] {strides = array<i32>} : memref<16384xi32, #tpu.memory_space<vmem>>, vector<16xi32>,
      %parallel_loop3A_51 = vector.shape_cast %parallel_loop3A_50 : vector<16xi32> to vector<16xi32>
      %parallel_loop3A_52 = vector.shape_cast %parallel_loop3A_46 : vector<16xi32> to vector<16xi32>
      tpu.vector_store %arg16[%parallel_loop3A_49], %parallel_loop3A_52 {strides = array<i32>} : memref<16384xi32, #tpu.memory_space<vmem>>, vector<16xi32>,
      %parallel_loop3A_53 = arith.constant 128 : i32
      %parallel_loop3A_54 = vector.broadcast %parallel_loop3A_53 : i32 to vector<16xi32>
      %parallel_loop3A_55 = arith.addi %parallel_loop3A_43, %parallel_loop3A_54 : vector<16xi32>
      %parallel_loop3A_56 = arith.constant 512 : i32
      %parallel_loop3A_57 = arith.addi %parallel_loop3A_56, %parallel_loop3A_30 : i32
      %parallel_loop3A_58 = arith.index_cast %parallel_loop3A_57 : i32 to index
      %parallel_loop3A_59 = tpu.vector_load %arg16[%parallel_loop3A_58] {strides = array<i32>} : memref<16384xi32, #tpu.memory_space<vmem>>, vector<16xi32>,
      %parallel_loop3A_60 = vector.shape_cast %parallel_loop3A_59 : vector<16xi32> to vector<16xi32>
      %parallel_loop3A_61 = vector.shape_cast %parallel_loop3A_55 : vector<16xi32> to vector<16xi32>
      tpu.vector_store %arg16[%parallel_loop3A_58], %parallel_loop3A_61 {strides = array<i32>} : memref<16384xi32, #tpu.memory_space<vmem>>, vector<16xi32>,
      %parallel_loop3A_62 = arith.constant 256 : i32
      %parallel_loop3A_63 = vector.broadcast %parallel_loop3A_62 : i32 to vector<16xi32>
      %parallel_loop3A_64 = arith.addi %parallel_loop3A_43, %parallel_loop3A_63 : vector<16xi32>
      %parallel_loop3A_65 = arith.constant 1024 : i32
      %parallel_loop3A_66 = arith.addi %parallel_loop3A_65, %parallel_loop3A_30 : i32
      %parallel_loop3A_67 = arith.index_cast %parallel_loop3A_66 : i32 to index
      %parallel_loop3A_68 = tpu.vector_load %arg16[%parallel_loop3A_67] {strides = array<i32>} : memref<16384xi32, #tpu.memory_space<vmem>>, vector<16xi32>,
      %parallel_loop3A_69 = vector.shape_cast %parallel_loop3A_68 : vector<16xi32> to vector<16xi32>
      %parallel_loop3A_70 = vector.shape_cast %parallel_loop3A_64 : vector<16xi32> to vector<16xi32>
      tpu.vector_store %arg16[%parallel_loop3A_67], %parallel_loop3A_70 {strides = array<i32>} : memref<16384xi32, #tpu.memory_space<vmem>>, vector<16xi32>,
      %parallel_loop3A_71 = arith.constant 384 : i32
      %parallel_loop3A_72 = vector.broadcast %parallel_loop3A_71 : i32 to vector<16xi32>
      %parallel_loop3A_73 = arith.addi %parallel_loop3A_43, %parallel_loop3A_72 : vector<16xi32>
      %parallel_loop3A_74 = arith.constant 1536 : i32
      %parallel_loop3A_75 = arith.addi %parallel_loop3A_74, %parallel_loop3A_30 : i32
      %parallel_loop3A_76 = arith.index_cast %parallel_loop3A_75 : i32 to index
      %parallel_loop3A_77 = tpu.vector_load %arg16[%parallel_loop3A_76] {strides = array<i32>} : memref<16384xi32, #tpu.memory_space<vmem>>, vector<16xi32>,
      %parallel_loop3A_78 = vector.shape_cast %parallel_loop3A_77 : vector<16xi32> to vector<16xi32>
      %parallel_loop3A_79 = vector.shape_cast %parallel_loop3A_73 : vector<16xi32> to vector<16xi32>
      tpu.vector_store %arg16[%parallel_loop3A_76], %parallel_loop3A_79 {strides = array<i32>} : memref<16384xi32, #tpu.memory_space<vmem>>, vector<16xi32>,
      %parallel_loop3A_80 = arith.constant 512 : i32
      %parallel_loop3A_81 = vector.broadcast %parallel_loop3A_80 : i32 to vector<16xi32>
      %parallel_loop3A_82 = arith.addi %parallel_loop3A_43, %parallel_loop3A_81 : vector<16xi32>
      %parallel_loop3A_83 = arith.constant 2048 : i32
      %parallel_loop3A_84 = arith.addi %parallel_loop3A_83, %parallel_loop3A_30 : i32
      %parallel_loop3A_85 = arith.index_cast %parallel_loop3A_84 : i32 to index
      %parallel_loop3A_86 = tpu.vector_load %arg16[%parallel_loop3A_85] {strides = array<i32>} : memref<16384xi32, #tpu.memory_space<vmem>>, vector<16xi32>,
      %parallel_loop3A_87 = vector.shape_cast %parallel_loop3A_86 : vector<16xi32> to vector<16xi32>
      %parallel_loop3A_88 = vector.shape_cast %parallel_loop3A_82 : vector<16xi32> to vector<16xi32>
      tpu.vector_store %arg16[%parallel_loop3A_85], %parallel_loop3A_88 {strides = array<i32>} : memref<16384xi32, #tpu.memory_space<vmem>>, vector<16xi32>,
      %parallel_loop3A_89 = arith.constant 640 : i32
      %parallel_loop3A_90 = vector.broadcast %parallel_loop3A_89 : i32 to vector<16xi32>
      %parallel_loop3A_91 = arith.addi %parallel_loop3A_43, %parallel_loop3A_90 : vector<16xi32>
      %parallel_loop3A_92 = arith.constant 2560 : i32
      %parallel_loop3A_93 = arith.addi %parallel_loop3A_92, %parallel_loop3A_30 : i32
      %parallel_loop3A_94 = arith.index_cast %parallel_loop3A_93 : i32 to index
      %parallel_loop3A_95 = tpu.vector_load %arg16[%parallel_loop3A_94] {strides = array<i32>} : memref<16384xi32, #tpu.memory_space<vmem>>, vector<16xi32>,
      %parallel_loop3A_96 = vector.shape_cast %parallel_loop3A_95 : vector<16xi32> to vector<16xi32>
      %parallel_loop3A_97 = vector.shape_cast %parallel_loop3A_91 : vector<16xi32> to vector<16xi32>
      tpu.vector_store %arg16[%parallel_loop3A_94], %parallel_loop3A_97 {strides = array<i32>} : memref<16384xi32, #tpu.memory_space<vmem>>, vector<16xi32>,
      %parallel_loop3A_98 = arith.constant 768 : i32
      %parallel_loop3A_99 = vector.broadcast %parallel_loop3A_98 : i32 to vector<16xi32>
      %parallel_loop3A_100 = arith.addi %parallel_loop3A_43, %parallel_loop3A_99 : vector<16xi32>
      %parallel_loop3A_101 = arith.constant 3072 : i32
      %parallel_loop3A_102 = arith.addi %parallel_loop3A_101, %parallel_loop3A_30 : i32
      %parallel_loop3A_103 = arith.index_cast %parallel_loop3A_102 : i32 to index
      %parallel_loop3A_104 = tpu.vector_load %arg16[%parallel_loop3A_103] {strides = array<i32>} : memref<16384xi32, #tpu.memory_space<vmem>>, vector<16xi32>,
      %parallel_loop3A_105 = vector.shape_cast %parallel_loop3A_104 : vector<16xi32> to vector<16xi32>
      %parallel_loop3A_106 = vector.shape_cast %parallel_loop3A_100 : vector<16xi32> to vector<16xi32>
      tpu.vector_store %arg16[%parallel_loop3A_103], %parallel_loop3A_106 {strides = array<i32>} : memref<16384xi32, #tpu.memory_space<vmem>>, vector<16xi32>,
      %parallel_loop3A_107 = arith.constant 896 : i32
      %parallel_loop3A_108 = vector.broadcast %parallel_loop3A_107 : i32 to vector<16xi32>
      %parallel_loop3A_109 = arith.addi %parallel_loop3A_43, %parallel_loop3A_108 : vector<16xi32>
      %parallel_loop3A_110 = arith.constant 3584 : i32
      %parallel_loop3A_111 = arith.addi %parallel_loop3A_110, %parallel_loop3A_30 : i32
      %parallel_loop3A_112 = arith.index_cast %parallel_loop3A_111 : i32 to index
      %parallel_loop3A_113 = tpu.vector_load %arg16[%parallel_loop3A_112] {strides = array<i32>} : memref<16384xi32, #tpu.memory_space<vmem>>, vector<16xi32>,
      %parallel_loop3A_114 = vector.shape_cast %parallel_loop3A_113 : vector<16xi32> to vector<16xi32>
      %parallel_loop3A_115 = vector.shape_cast %parallel_loop3A_109 : vector<16xi32> to vector<16xi32>
      tpu.vector_store %arg16[%parallel_loop3A_112], %parallel_loop3A_115 {strides = array<i32>} : memref<16384xi32, #tpu.memory_space<vmem>>, vector<16xi32>,
      %parallel_loop3A_116 = arith.constant 800768 : i32
      %parallel_loop3A_117 = vector.broadcast %parallel_loop3A_116 : i32 to vector<16xi32>
      %parallel_loop3A_118 = arith.addi %parallel_loop3A_43, %parallel_loop3A_117 : vector<16xi32>
      %parallel_loop3A_119 = arith.constant 4096 : i32
      %parallel_loop3A_120 = arith.addi %parallel_loop3A_119, %parallel_loop3A_30 : i32
      %parallel_loop3A_121 = arith.index_cast %parallel_loop3A_120 : i32 to index
      %parallel_loop3A_122 = tpu.vector_load %arg16[%parallel_loop3A_121] {strides = array<i32>} : memref<16384xi32, #tpu.memory_space<vmem>>, vector<16xi32>,
      %parallel_loop3A_123 = vector.shape_cast %parallel_loop3A_122 : vector<16xi32> to vector<16xi32>
      %parallel_loop3A_124 = vector.shape_cast %parallel_loop3A_118 : vector<16xi32> to vector<16xi32>
      tpu.vector_store %arg16[%parallel_loop3A_121], %parallel_loop3A_124 {strides = array<i32>} : memref<16384xi32, #tpu.memory_space<vmem>>, vector<16xi32>,
      %parallel_loop3A_125 = arith.constant 800896 : i32
      %parallel_loop3A_126 = vector.broadcast %parallel_loop3A_125 : i32 to vector<16xi32>
      %parallel_loop3A_127 = arith.addi %parallel_loop3A_43, %parallel_loop3A_126 : vector<16xi32>
      %parallel_loop3A_128 = arith.constant 4608 : i32
      %parallel_loop3A_129 = arith.addi %parallel_loop3A_128, %parallel_loop3A_30 : i32
      %parallel_loop3A_130 = arith.index_cast %parallel_loop3A_129 : i32 to index
      %parallel_loop3A_131 = tpu.vector_load %arg16[%parallel_loop3A_130] {strides = array<i32>} : memref<16384xi32, #tpu.memory_space<vmem>>, vector<16xi32>,
      %parallel_loop3A_132 = vector.shape_cast %parallel_loop3A_131 : vector<16xi32> to vector<16xi32>
      %parallel_loop3A_133 = vector.shape_cast %parallel_loop3A_127 : vector<16xi32> to vector<16xi32>
      tpu.vector_store %arg16[%parallel_loop3A_130], %parallel_loop3A_133 {strides = array<i32>} : memref<16384xi32, #tpu.memory_space<vmem>>, vector<16xi32>,
      %parallel_loop3A_134 = arith.constant 801024 : i32
      %parallel_loop3A_135 = vector.broadcast %parallel_loop3A_134 : i32 to vector<16xi32>
      %parallel_loop3A_136 = arith.addi %parallel_loop3A_43, %parallel_loop3A_135 : vector<16xi32>
      %parallel_loop3A_137 = arith.constant 5120 : i32
      %parallel_loop3A_138 = arith.addi %parallel_loop3A_137, %parallel_loop3A_30 : i32
      %parallel_loop3A_139 = arith.index_cast %parallel_loop3A_138 : i32 to index
      %parallel_loop3A_140 = tpu.vector_load %arg16[%parallel_loop3A_139] {strides = array<i32>} : memref<16384xi32, #tpu.memory_space<vmem>>, vector<16xi32>,
      %parallel_loop3A_141 = vector.shape_cast %parallel_loop3A_140 : vector<16xi32> to vector<16xi32>
      %parallel_loop3A_142 = vector.shape_cast %parallel_loop3A_136 : vector<16xi32> to vector<16xi32>
      tpu.vector_store %arg16[%parallel_loop3A_139], %parallel_loop3A_142 {strides = array<i32>} : memref<16384xi32, #tpu.memory_space<vmem>>, vector<16xi32>,
      %parallel_loop3A_143 = arith.constant 801152 : i32
      %parallel_loop3A_144 = vector.broadcast %parallel_loop3A_143 : i32 to vector<16xi32>
      %parallel_loop3A_145 = arith.addi %parallel_loop3A_43, %parallel_loop3A_144 : vector<16xi32>
      %parallel_loop3A_146 = arith.constant 5632 : i32
      %parallel_loop3A_147 = arith.addi %parallel_loop3A_146, %parallel_loop3A_30 : i32
      %parallel_loop3A_148 = arith.index_cast %parallel_loop3A_147 : i32 to index
      %parallel_loop3A_149 = tpu.vector_load %arg16[%parallel_loop3A_148] {strides = array<i32>} : memref<16384xi32, #tpu.memory_space<vmem>>, vector<16xi32>,
      %parallel_loop3A_150 = vector.shape_cast %parallel_loop3A_149 : vector<16xi32> to vector<16xi32>
      %parallel_loop3A_151 = vector.shape_cast %parallel_loop3A_145 : vector<16xi32> to vector<16xi32>
      tpu.vector_store %arg16[%parallel_loop3A_148], %parallel_loop3A_151 {strides = array<i32>} : memref<16384xi32, #tpu.memory_space<vmem>>, vector<16xi32>,
      %parallel_loop3A_152 = arith.constant 801280 : i32
      %parallel_loop3A_153 = vector.broadcast %parallel_loop3A_152 : i32 to vector<16xi32>
      %parallel_loop3A_154 = arith.addi %parallel_loop3A_43, %parallel_loop3A_153 : vector<16xi32>
      %parallel_loop3A_155 = arith.constant 6144 : i32
      %parallel_loop3A_156 = arith.addi %parallel_loop3A_155, %parallel_loop3A_30 : i32
      %parallel_loop3A_157 = arith.index_cast %parallel_loop3A_156 : i32 to index
      %parallel_loop3A_158 = tpu.vector_load %arg16[%parallel_loop3A_157] {strides = array<i32>} : memref<16384xi32, #tpu.memory_space<vmem>>, vector<16xi32>,
      %parallel_loop3A_159 = vector.shape_cast %parallel_loop3A_158 : vector<16xi32> to vector<16xi32>
      %parallel_loop3A_160 = vector.shape_cast %parallel_loop3A_154 : vector<16xi32> to vector<16xi32>
      tpu.vector_store %arg16[%parallel_loop3A_157], %parallel_loop3A_160 {strides = array<i32>} : memref<16384xi32, #tpu.memory_space<vmem>>, vector<16xi32>,
      %parallel_loop3A_161 = arith.constant 801408 : i32
      %parallel_loop3A_162 = vector.broadcast %parallel_loop3A_161 : i32 to vector<16xi32>
      %parallel_loop3A_163 = arith.addi %parallel_loop3A_43, %parallel_loop3A_162 : vector<16xi32>
      %parallel_loop3A_164 = arith.constant 6656 : i32
      %parallel_loop3A_165 = arith.addi %parallel_loop3A_164, %parallel_loop3A_30 : i32
      %parallel_loop3A_166 = arith.index_cast %parallel_loop3A_165 : i32 to index
      %parallel_loop3A_167 = tpu.vector_load %arg16[%parallel_loop3A_166] {strides = array<i32>} : memref<16384xi32, #tpu.memory_space<vmem>>, vector<16xi32>,
      %parallel_loop3A_168 = vector.shape_cast %parallel_loop3A_167 : vector<16xi32> to vector<16xi32>
      %parallel_loop3A_169 = vector.shape_cast %parallel_loop3A_163 : vector<16xi32> to vector<16xi32>
      tpu.vector_store %arg16[%parallel_loop3A_166], %parallel_loop3A_169 {strides = array<i32>} : memref<16384xi32, #tpu.memory_space<vmem>>, vector<16xi32>,
      %parallel_loop3A_170 = arith.constant 801536 : i32
      %parallel_loop3A_171 = vector.broadcast %parallel_loop3A_170 : i32 to vector<16xi32>
      %parallel_loop3A_172 = arith.addi %parallel_loop3A_43, %parallel_loop3A_171 : vector<16xi32>
      %parallel_loop3A_173 = arith.constant 7168 : i32
      %parallel_loop3A_174 = arith.addi %parallel_loop3A_173, %parallel_loop3A_30 : i32
      %parallel_loop3A_175 = arith.index_cast %parallel_loop3A_174 : i32 to index
      %parallel_loop3A_176 = tpu.vector_load %arg16[%parallel_loop3A_175] {strides = array<i32>} : memref<16384xi32, #tpu.memory_space<vmem>>, vector<16xi32>,
      %parallel_loop3A_177 = vector.shape_cast %parallel_loop3A_176 : vector<16xi32> to vector<16xi32>
      %parallel_loop3A_178 = vector.shape_cast %parallel_loop3A_172 : vector<16xi32> to vector<16xi32>
      tpu.vector_store %arg16[%parallel_loop3A_175], %parallel_loop3A_178 {strides = array<i32>} : memref<16384xi32, #tpu.memory_space<vmem>>, vector<16xi32>,
      %parallel_loop3A_179 = arith.constant 801664 : i32
      %parallel_loop3A_180 = vector.broadcast %parallel_loop3A_179 : i32 to vector<16xi32>
      %parallel_loop3A_181 = arith.addi %parallel_loop3A_43, %parallel_loop3A_180 : vector<16xi32>
      %parallel_loop3A_182 = arith.constant 7680 : i32
      %parallel_loop3A_183 = arith.addi %parallel_loop3A_182, %parallel_loop3A_30 : i32
      %parallel_loop3A_184 = arith.index_cast %parallel_loop3A_183 : i32 to index
      %parallel_loop3A_185 = tpu.vector_load %arg16[%parallel_loop3A_184] {strides = array<i32>} : memref<16384xi32, #tpu.memory_space<vmem>>, vector<16xi32>,
      %parallel_loop3A_186 = vector.shape_cast %parallel_loop3A_185 : vector<16xi32> to vector<16xi32>
      %parallel_loop3A_187 = vector.shape_cast %parallel_loop3A_181 : vector<16xi32> to vector<16xi32>
      tpu.vector_store %arg16[%parallel_loop3A_184], %parallel_loop3A_187 {strides = array<i32>} : memref<16384xi32, #tpu.memory_space<vmem>>, vector<16xi32>,
      %parallel_loop3A_188 = arith.constant 1601536 : i32
      %parallel_loop3A_189 = vector.broadcast %parallel_loop3A_188 : i32 to vector<16xi32>
      %parallel_loop3A_190 = arith.addi %parallel_loop3A_43, %parallel_loop3A_189 : vector<16xi32>
      %parallel_loop3A_191 = arith.constant 8192 : i32
      %parallel_loop3A_192 = arith.addi %parallel_loop3A_191, %parallel_loop3A_30 : i32
      %parallel_loop3A_193 = arith.index_cast %parallel_loop3A_192 : i32 to index
      %parallel_loop3A_194 = tpu.vector_load %arg16[%parallel_loop3A_193] {strides = array<i32>} : memref<16384xi32, #tpu.memory_space<vmem>>, vector<16xi32>,
      %parallel_loop3A_195 = vector.shape_cast %parallel_loop3A_194 : vector<16xi32> to vector<16xi32>
      %parallel_loop3A_196 = vector.shape_cast %parallel_loop3A_190 : vector<16xi32> to vector<16xi32>
      tpu.vector_store %arg16[%parallel_loop3A_193], %parallel_loop3A_196 {strides = array<i32>} : memref<16384xi32, #tpu.memory_space<vmem>>, vector<16xi32>,
      %parallel_loop3A_197 = arith.constant 1601664 : i32
      %parallel_loop3A_198 = vector.broadcast %parallel_loop3A_197 : i32 to vector<16xi32>
      %parallel_loop3A_199 = arith.addi %parallel_loop3A_43, %parallel_loop3A_198 : vector<16xi32>
      %parallel_loop3A_200 = arith.constant 8704 : i32
      %parallel_loop3A_201 = arith.addi %parallel_loop3A_200, %parallel_loop3A_30 : i32
      %parallel_loop3A_202 = arith.index_cast %parallel_loop3A_201 : i32 to index
      %parallel_loop3A_203 = tpu.vector_load %arg16[%parallel_loop3A_202] {strides = array<i32>} : memref<16384xi32, #tpu.memory_space<vmem>>, vector<16xi32>,
      %parallel_loop3A_204 = vector.shape_cast %parallel_loop3A_203 : vector<16xi32> to vector<16xi32>
      %parallel_loop3A_205 = vector.shape_cast %parallel_loop3A_199 : vector<16xi32> to vector<16xi32>
      tpu.vector_store %arg16[%parallel_loop3A_202], %parallel_loop3A_205 {strides = array<i32>} : memref<16384xi32, #tpu.memory_space<vmem>>, vector<16xi32>,
      %parallel_loop3A_206 = arith.constant 1601792 : i32
      %parallel_loop3A_207 = vector.broadcast %parallel_loop3A_206 : i32 to vector<16xi32>
      %parallel_loop3A_208 = arith.addi %parallel_loop3A_43, %parallel_loop3A_207 : vector<16xi32>
      %parallel_loop3A_209 = arith.constant 9216 : i32
      %parallel_loop3A_210 = arith.addi %parallel_loop3A_209, %parallel_loop3A_30 : i32
      %parallel_loop3A_211 = arith.index_cast %parallel_loop3A_210 : i32 to index
      %parallel_loop3A_212 = tpu.vector_load %arg16[%parallel_loop3A_211] {strides = array<i32>} : memref<16384xi32, #tpu.memory_space<vmem>>, vector<16xi32>,
      %parallel_loop3A_213 = vector.shape_cast %parallel_loop3A_212 : vector<16xi32> to vector<16xi32>
      %parallel_loop3A_214 = vector.shape_cast %parallel_loop3A_208 : vector<16xi32> to vector<16xi32>
      tpu.vector_store %arg16[%parallel_loop3A_211], %parallel_loop3A_214 {strides = array<i32>} : memref<16384xi32, #tpu.memory_space<vmem>>, vector<16xi32>,
      %parallel_loop3A_215 = arith.constant 1601920 : i32
      %parallel_loop3A_216 = vector.broadcast %parallel_loop3A_215 : i32 to vector<16xi32>
      %parallel_loop3A_217 = arith.addi %parallel_loop3A_43, %parallel_loop3A_216 : vector<16xi32>
      %parallel_loop3A_218 = arith.constant 9728 : i32
      %parallel_loop3A_219 = arith.addi %parallel_loop3A_218, %parallel_loop3A_30 : i32
      %parallel_loop3A_220 = arith.index_cast %parallel_loop3A_219 : i32 to index
      %parallel_loop3A_221 = tpu.vector_load %arg16[%parallel_loop3A_220] {strides = array<i32>} : memref<16384xi32, #tpu.memory_space<vmem>>, vector<16xi32>,
      %parallel_loop3A_222 = vector.shape_cast %parallel_loop3A_221 : vector<16xi32> to vector<16xi32>
      %parallel_loop3A_223 = vector.shape_cast %parallel_loop3A_217 : vector<16xi32> to vector<16xi32>
      tpu.vector_store %arg16[%parallel_loop3A_220], %parallel_loop3A_223 {strides = array<i32>} : memref<16384xi32, #tpu.memory_space<vmem>>, vector<16xi32>,
      %parallel_loop3A_224 = arith.constant 1602048 : i32
      %parallel_loop3A_225 = vector.broadcast %parallel_loop3A_224 : i32 to vector<16xi32>
      %parallel_loop3A_226 = arith.addi %parallel_loop3A_43, %parallel_loop3A_225 : vector<16xi32>
      %parallel_loop3A_227 = arith.constant 10240 : i32
      %parallel_loop3A_228 = arith.addi %parallel_loop3A_227, %parallel_loop3A_30 : i32
      %parallel_loop3A_229 = arith.index_cast %parallel_loop3A_228 : i32 to index
      %parallel_loop3A_230 = tpu.vector_load %arg16[%parallel_loop3A_229] {strides = array<i32>} : memref<16384xi32, #tpu.memory_space<vmem>>, vector<16xi32>,
      %parallel_loop3A_231 = vector.shape_cast %parallel_loop3A_230 : vector<16xi32> to vector<16xi32>
      %parallel_loop3A_232 = vector.shape_cast %parallel_loop3A_226 : vector<16xi32> to vector<16xi32>
      tpu.vector_store %arg16[%parallel_loop3A_229], %parallel_loop3A_232 {strides = array<i32>} : memref<16384xi32, #tpu.memory_space<vmem>>, vector<16xi32>,
      %parallel_loop3A_233 = arith.constant 1602176 : i32
      %parallel_loop3A_234 = vector.broadcast %parallel_loop3A_233 : i32 to vector<16xi32>
      %parallel_loop3A_235 = arith.addi %parallel_loop3A_43, %parallel_loop3A_234 : vector<16xi32>
      %parallel_loop3A_236 = arith.constant 10752 : i32
      %parallel_loop3A_237 = arith.addi %parallel_loop3A_236, %parallel_loop3A_30 : i32
      %parallel_loop3A_238 = arith.index_cast %parallel_loop3A_237 : i32 to index
      %parallel_loop3A_239 = tpu.vector_load %arg16[%parallel_loop3A_238] {strides = array<i32>} : memref<16384xi32, #tpu.memory_space<vmem>>, vector<16xi32>,
      %parallel_loop3A_240 = vector.shape_cast %parallel_loop3A_239 : vector<16xi32> to vector<16xi32>
      %parallel_loop3A_241 = vector.shape_cast %parallel_loop3A_235 : vector<16xi32> to vector<16xi32>
      tpu.vector_store %arg16[%parallel_loop3A_238], %parallel_loop3A_241 {strides = array<i32>} : memref<16384xi32, #tpu.memory_space<vmem>>, vector<16xi32>,
      %parallel_loop3A_242 = arith.constant 1602304 : i32
      %parallel_loop3A_243 = vector.broadcast %parallel_loop3A_242 : i32 to vector<16xi32>
      %parallel_loop3A_244 = arith.addi %parallel_loop3A_43, %parallel_loop3A_243 : vector<16xi32>
      %parallel_loop3A_245 = arith.constant 11264 : i32
      %parallel_loop3A_246 = arith.addi %parallel_loop3A_245, %parallel_loop3A_30 : i32
      %parallel_loop3A_247 = arith.index_cast %parallel_loop3A_246 : i32 to index
      %parallel_loop3A_248 = tpu.vector_load %arg16[%parallel_loop3A_247] {strides = array<i32>} : memref<16384xi32, #tpu.memory_space<vmem>>, vector<16xi32>,
      %parallel_loop3A_249 = vector.shape_cast %parallel_loop3A_248 : vector<16xi32> to vector<16xi32>
      %parallel_loop3A_250 = vector.shape_cast %parallel_loop3A_244 : vector<16xi32> to vector<16xi32>
      tpu.vector_store %arg16[%parallel_loop3A_247], %parallel_loop3A_250 {strides = array<i32>} : memref<16384xi32, #tpu.memory_space<vmem>>, vector<16xi32>,
      %parallel_loop3A_251 = arith.constant 1602432 : i32
      %parallel_loop3A_252 = vector.broadcast %parallel_loop3A_251 : i32 to vector<16xi32>
      %parallel_loop3A_253 = arith.addi %parallel_loop3A_43, %parallel_loop3A_252 : vector<16xi32>
      %parallel_loop3A_254 = arith.constant 11776 : i32
      %parallel_loop3A_255 = arith.addi %parallel_loop3A_254, %parallel_loop3A_30 : i32
      %parallel_loop3A_256 = arith.index_cast %parallel_loop3A_255 : i32 to index
      %parallel_loop3A_257 = tpu.vector_load %arg16[%parallel_loop3A_256] {strides = array<i32>} : memref<16384xi32, #tpu.memory_space<vmem>>, vector<16xi32>,
      %parallel_loop3A_258 = vector.shape_cast %parallel_loop3A_257 : vector<16xi32> to vector<16xi32>
      %parallel_loop3A_259 = vector.shape_cast %parallel_loop3A_253 : vector<16xi32> to vector<16xi32>
      tpu.vector_store %arg16[%parallel_loop3A_256], %parallel_loop3A_259 {strides = array<i32>} : memref<16384xi32, #tpu.memory_space<vmem>>, vector<16xi32>,
      %parallel_loop3A_260 = arith.constant 2402304 : i32
      %parallel_loop3A_261 = vector.broadcast %parallel_loop3A_260 : i32 to vector<16xi32>
      %parallel_loop3A_262 = arith.addi %parallel_loop3A_43, %parallel_loop3A_261 : vector<16xi32>
      %parallel_loop3A_263 = arith.constant 12288 : i32
      %parallel_loop3A_264 = arith.addi %parallel_loop3A_263, %parallel_loop3A_30 : i32
      %parallel_loop3A_265 = arith.index_cast %parallel_loop3A_264 : i32 to index
      %parallel_loop3A_266 = tpu.vector_load %arg16[%parallel_loop3A_265] {strides = array<i32>} : memref<16384xi32, #tpu.memory_space<vmem>>, vector<16xi32>,
      %parallel_loop3A_267 = vector.shape_cast %parallel_loop3A_266 : vector<16xi32> to vector<16xi32>
      %parallel_loop3A_268 = vector.shape_cast %parallel_loop3A_262 : vector<16xi32> to vector<16xi32>
      tpu.vector_store %arg16[%parallel_loop3A_265], %parallel_loop3A_268 {strides = array<i32>} : memref<16384xi32, #tpu.memory_space<vmem>>, vector<16xi32>,
      %parallel_loop3A_269 = arith.constant 2402432 : i32
      %parallel_loop3A_270 = vector.broadcast %parallel_loop3A_269 : i32 to vector<16xi32>
      %parallel_loop3A_271 = arith.addi %parallel_loop3A_43, %parallel_loop3A_270 : vector<16xi32>
      %parallel_loop3A_272 = arith.constant 12800 : i32
      %parallel_loop3A_273 = arith.addi %parallel_loop3A_272, %parallel_loop3A_30 : i32
      %parallel_loop3A_274 = arith.index_cast %parallel_loop3A_273 : i32 to index
      %parallel_loop3A_275 = tpu.vector_load %arg16[%parallel_loop3A_274] {strides = array<i32>} : memref<16384xi32, #tpu.memory_space<vmem>>, vector<16xi32>,
      %parallel_loop3A_276 = vector.shape_cast %parallel_loop3A_275 : vector<16xi32> to vector<16xi32>
      %parallel_loop3A_277 = vector.shape_cast %parallel_loop3A_271 : vector<16xi32> to vector<16xi32>
      tpu.vector_store %arg16[%parallel_loop3A_274], %parallel_loop3A_277 {strides = array<i32>} : memref<16384xi32, #tpu.memory_space<vmem>>, vector<16xi32>,
      %parallel_loop3A_278 = arith.constant 2402560 : i32
      %parallel_loop3A_279 = vector.broadcast %parallel_loop3A_278 : i32 to vector<16xi32>
      %parallel_loop3A_280 = arith.addi %parallel_loop3A_43, %parallel_loop3A_279 : vector<16xi32>
      %parallel_loop3A_281 = arith.constant 13312 : i32
      %parallel_loop3A_282 = arith.addi %parallel_loop3A_281, %parallel_loop3A_30 : i32
      %parallel_loop3A_283 = arith.index_cast %parallel_loop3A_282 : i32 to index
      %parallel_loop3A_284 = tpu.vector_load %arg16[%parallel_loop3A_283] {strides = array<i32>} : memref<16384xi32, #tpu.memory_space<vmem>>, vector<16xi32>,
      %parallel_loop3A_285 = vector.shape_cast %parallel_loop3A_284 : vector<16xi32> to vector<16xi32>
      %parallel_loop3A_286 = vector.shape_cast %parallel_loop3A_280 : vector<16xi32> to vector<16xi32>
      tpu.vector_store %arg16[%parallel_loop3A_283], %parallel_loop3A_286 {strides = array<i32>} : memref<16384xi32, #tpu.memory_space<vmem>>, vector<16xi32>,
      %parallel_loop3A_287 = arith.constant 2402688 : i32
      %parallel_loop3A_288 = vector.broadcast %parallel_loop3A_287 : i32 to vector<16xi32>
      %parallel_loop3A_289 = arith.addi %parallel_loop3A_43, %parallel_loop3A_288 : vector<16xi32>
      %parallel_loop3A_290 = arith.constant 13824 : i32
      %parallel_loop3A_291 = arith.addi %parallel_loop3A_290, %parallel_loop3A_30 : i32
      %parallel_loop3A_292 = arith.index_cast %parallel_loop3A_291 : i32 to index
      %parallel_loop3A_293 = tpu.vector_load %arg16[%parallel_loop3A_292] {strides = array<i32>} : memref<16384xi32, #tpu.memory_space<vmem>>, vector<16xi32>,
      %parallel_loop3A_294 = vector.shape_cast %parallel_loop3A_293 : vector<16xi32> to vector<16xi32>
      %parallel_loop3A_295 = vector.shape_cast %parallel_loop3A_289 : vector<16xi32> to vector<16xi32>
      tpu.vector_store %arg16[%parallel_loop3A_292], %parallel_loop3A_295 {strides = array<i32>} : memref<16384xi32, #tpu.memory_space<vmem>>, vector<16xi32>,
      %parallel_loop3A_296 = arith.constant 2402816 : i32
      %parallel_loop3A_297 = vector.broadcast %parallel_loop3A_296 : i32 to vector<16xi32>
      %parallel_loop3A_298 = arith.addi %parallel_loop3A_43, %parallel_loop3A_297 : vector<16xi32>
      %parallel_loop3A_299 = arith.constant 14336 : i32
      %parallel_loop3A_300 = arith.addi %parallel_loop3A_299, %parallel_loop3A_30 : i32
      %parallel_loop3A_301 = arith.index_cast %parallel_loop3A_300 : i32 to index
      %parallel_loop3A_302 = tpu.vector_load %arg16[%parallel_loop3A_301] {strides = array<i32>} : memref<16384xi32, #tpu.memory_space<vmem>>, vector<16xi32>,
      %parallel_loop3A_303 = vector.shape_cast %parallel_loop3A_302 : vector<16xi32> to vector<16xi32>
      %parallel_loop3A_304 = vector.shape_cast %parallel_loop3A_298 : vector<16xi32> to vector<16xi32>
      tpu.vector_store %arg16[%parallel_loop3A_301], %parallel_loop3A_304 {strides = array<i32>} : memref<16384xi32, #tpu.memory_space<vmem>>, vector<16xi32>,
      %parallel_loop3A_305 = arith.constant 2402944 : i32
      %parallel_loop3A_306 = vector.broadcast %parallel_loop3A_305 : i32 to vector<16xi32>
      %parallel_loop3A_307 = arith.addi %parallel_loop3A_43, %parallel_loop3A_306 : vector<16xi32>
      %parallel_loop3A_308 = arith.constant 14848 : i32
      %parallel_loop3A_309 = arith.addi %parallel_loop3A_308, %parallel_loop3A_30 : i32
      %parallel_loop3A_310 = arith.index_cast %parallel_loop3A_309 : i32 to index
      %parallel_loop3A_311 = tpu.vector_load %arg16[%parallel_loop3A_310] {strides = array<i32>} : memref<16384xi32, #tpu.memory_space<vmem>>, vector<16xi32>,
      %parallel_loop3A_312 = vector.shape_cast %parallel_loop3A_311 : vector<16xi32> to vector<16xi32>
      %parallel_loop3A_313 = vector.shape_cast %parallel_loop3A_307 : vector<16xi32> to vector<16xi32>
      tpu.vector_store %arg16[%parallel_loop3A_310], %parallel_loop3A_313 {strides = array<i32>} : memref<16384xi32, #tpu.memory_space<vmem>>, vector<16xi32>,
      %parallel_loop3A_314 = arith.constant 2403072 : i32
      %parallel_loop3A_315 = vector.broadcast %parallel_loop3A_314 : i32 to vector<16xi32>
      %parallel_loop3A_316 = arith.addi %parallel_loop3A_43, %parallel_loop3A_315 : vector<16xi32>
      %parallel_loop3A_317 = arith.constant 15360 : i32
      %parallel_loop3A_318 = arith.addi %parallel_loop3A_317, %parallel_loop3A_30 : i32
      %parallel_loop3A_319 = arith.index_cast %parallel_loop3A_318 : i32 to index
      %parallel_loop3A_320 = tpu.vector_load %arg16[%parallel_loop3A_319] {strides = array<i32>} : memref<16384xi32, #tpu.memory_space<vmem>>, vector<16xi32>,
      %parallel_loop3A_321 = vector.shape_cast %parallel_loop3A_320 : vector<16xi32> to vector<16xi32>
      %parallel_loop3A_322 = vector.shape_cast %parallel_loop3A_316 : vector<16xi32> to vector<16xi32>
      tpu.vector_store %arg16[%parallel_loop3A_319], %parallel_loop3A_322 {strides = array<i32>} : memref<16384xi32, #tpu.memory_space<vmem>>, vector<16xi32>,
      %parallel_loop3A_323 = arith.constant 2403200 : i32
      %parallel_loop3A_324 = vector.broadcast %parallel_loop3A_323 : i32 to vector<16xi32>
      %parallel_loop3A_325 = arith.addi %parallel_loop3A_43, %parallel_loop3A_324 : vector<16xi32>
      %parallel_loop3A_326 = arith.constant 15872 : i32
      %parallel_loop3A_327 = arith.addi %parallel_loop3A_326, %parallel_loop3A_30 : i32
      %parallel_loop3A_328 = arith.index_cast %parallel_loop3A_327 : i32 to index
      %parallel_loop3A_329 = tpu.vector_load %arg16[%parallel_loop3A_328] {strides = array<i32>} : memref<16384xi32, #tpu.memory_space<vmem>>, vector<16xi32>,
      %parallel_loop3A_330 = vector.shape_cast %parallel_loop3A_329 : vector<16xi32> to vector<16xi32>
      %parallel_loop3A_331 = vector.shape_cast %parallel_loop3A_325 : vector<16xi32> to vector<16xi32>
      tpu.vector_store %arg16[%parallel_loop3A_328], %parallel_loop3A_331 {strides = array<i32>} : memref<16384xi32, #tpu.memory_space<vmem>>, vector<16xi32>,
    } {sc.loop_unroll_factor = 2 : i64, sc.parallel_access}
    %dma_start3A_8 = arith.constant 0 : i32
    %dma_start3A_9 = tpu.memref_slice %arg6[%dma_start3A_8] : memref<3203072xf32, #tpu.memory_space<hbm>> -> memref<3203072xf32, #tpu.memory_space<hbm>>
    tpu.enqueue_indirect_dma source(%dma_start3A_9 : memref<3203072xf32, #tpu.memory_space<hbm>>) target(%arg18 : memref<16384xf32, #tpu.memory_space<vmem>>) offsets(%arg16 : memref<16384xi32, #tpu.memory_space<vmem>>) semaphore(%arg24 : memref<!tpu.dma_semaphore, #tpu.memory_space<semaphore_mem>>)
    %parallel_loop3A_10 = arith.constant 0 : i32
    %parallel_loop3A_11 = arith.constant 512 : i32
    %parallel_loop3A_12 = arith.constant 16 : i32
    scf.for %parallel_loop3A_30 = %parallel_loop3A_10 to %parallel_loop3A_11 step %parallel_loop3A_12  : i32 {
      %parallel_loop3A_31 = arith.index_cast %parallel_loop3A_30 : i32 to index
      %parallel_loop3A_32 = tpu.vector_load %arg12[%parallel_loop3A_31] {strides = array<i32>} : memref<512xi32, #tpu.memory_space<vmem>>, vector<16xi32>,
      %parallel_loop3A_33 = vector.shape_cast %parallel_loop3A_32 : vector<16xi32> to vector<16xi32>
      %parallel_loop3A_34 = arith.constant 20 : i32
      %parallel_loop3A_35 = vector.broadcast %parallel_loop3A_34 : i32 to vector<16xi32>
      %parallel_loop3A_36 = arith.muli %parallel_loop3A_33, %parallel_loop3A_35 : vector<16xi32>
      %parallel_loop3A_37 = arith.index_cast %parallel_loop3A_30 : i32 to index
      %parallel_loop3A_38 = tpu.vector_load %arg14[%parallel_loop3A_37] {strides = array<i32>} : memref<512xi32, #tpu.memory_space<vmem>>, vector<16xi32>,
      %parallel_loop3A_39 = vector.shape_cast %parallel_loop3A_38 : vector<16xi32> to vector<16xi32>
      %parallel_loop3A_40 = arith.addi %parallel_loop3A_36, %parallel_loop3A_39 : vector<16xi32>
      %parallel_loop3A_41 = arith.constant 7 : i32
      %parallel_loop3A_42 = vector.broadcast %parallel_loop3A_41 : i32 to vector<16xi32>
      %parallel_loop3A_43 = arith.shrsi %parallel_loop3A_40, %parallel_loop3A_42 : vector<16xi32>
      %parallel_loop3A_44 = arith.constant 10 : i32
      %parallel_loop3A_45 = vector.broadcast %parallel_loop3A_44 : i32 to vector<16xi32>
      %parallel_loop3A_46 = arith.shli %parallel_loop3A_43, %parallel_loop3A_45 : vector<16xi32>
      %parallel_loop3A_47 = arith.constant 127 : i32
      %parallel_loop3A_48 = vector.broadcast %parallel_loop3A_47 : i32 to vector<16xi32>
      %parallel_loop3A_49 = arith.andi %parallel_loop3A_40, %parallel_loop3A_48 : vector<16xi32>
      %parallel_loop3A_50 = arith.addi %parallel_loop3A_46, %parallel_loop3A_49 : vector<16xi32>
      %parallel_loop3A_51 = arith.constant 0 : i32
      %parallel_loop3A_52 = vector.broadcast %parallel_loop3A_51 : i32 to vector<16xi32>
      %parallel_loop3A_53 = arith.addi %parallel_loop3A_50, %parallel_loop3A_52 : vector<16xi32>
      %parallel_loop3A_54 = arith.constant 0 : i32
      %parallel_loop3A_55 = arith.addi %parallel_loop3A_54, %parallel_loop3A_30 : i32
      %parallel_loop3A_56 = arith.index_cast %parallel_loop3A_55 : i32 to index
      %parallel_loop3A_57 = tpu.vector_load %arg15[%parallel_loop3A_56] {strides = array<i32>} : memref<16384xi32, #tpu.memory_space<vmem>>, vector<16xi32>,
      %parallel_loop3A_58 = vector.shape_cast %parallel_loop3A_57 : vector<16xi32> to vector<16xi32>
      %parallel_loop3A_59 = vector.shape_cast %parallel_loop3A_53 : vector<16xi32> to vector<16xi32>
      tpu.vector_store %arg15[%parallel_loop3A_56], %parallel_loop3A_59 {strides = array<i32>} : memref<16384xi32, #tpu.memory_space<vmem>>, vector<16xi32>,
      %parallel_loop3A_60 = arith.constant 128 : i32
      %parallel_loop3A_61 = vector.broadcast %parallel_loop3A_60 : i32 to vector<16xi32>
      %parallel_loop3A_62 = arith.addi %parallel_loop3A_50, %parallel_loop3A_61 : vector<16xi32>
      %parallel_loop3A_63 = arith.constant 512 : i32
      %parallel_loop3A_64 = arith.addi %parallel_loop3A_63, %parallel_loop3A_30 : i32
      %parallel_loop3A_65 = arith.index_cast %parallel_loop3A_64 : i32 to index
      %parallel_loop3A_66 = tpu.vector_load %arg15[%parallel_loop3A_65] {strides = array<i32>} : memref<16384xi32, #tpu.memory_space<vmem>>, vector<16xi32>,
      %parallel_loop3A_67 = vector.shape_cast %parallel_loop3A_66 : vector<16xi32> to vector<16xi32>
      %parallel_loop3A_68 = vector.shape_cast %parallel_loop3A_62 : vector<16xi32> to vector<16xi32>
      tpu.vector_store %arg15[%parallel_loop3A_65], %parallel_loop3A_68 {strides = array<i32>} : memref<16384xi32, #tpu.memory_space<vmem>>, vector<16xi32>,
      %parallel_loop3A_69 = arith.constant 256 : i32
      %parallel_loop3A_70 = vector.broadcast %parallel_loop3A_69 : i32 to vector<16xi32>
      %parallel_loop3A_71 = arith.addi %parallel_loop3A_50, %parallel_loop3A_70 : vector<16xi32>
      %parallel_loop3A_72 = arith.constant 1024 : i32
      %parallel_loop3A_73 = arith.addi %parallel_loop3A_72, %parallel_loop3A_30 : i32
      %parallel_loop3A_74 = arith.index_cast %parallel_loop3A_73 : i32 to index
      %parallel_loop3A_75 = tpu.vector_load %arg15[%parallel_loop3A_74] {strides = array<i32>} : memref<16384xi32, #tpu.memory_space<vmem>>, vector<16xi32>,
      %parallel_loop3A_76 = vector.shape_cast %parallel_loop3A_75 : vector<16xi32> to vector<16xi32>
      %parallel_loop3A_77 = vector.shape_cast %parallel_loop3A_71 : vector<16xi32> to vector<16xi32>
      tpu.vector_store %arg15[%parallel_loop3A_74], %parallel_loop3A_77 {strides = array<i32>} : memref<16384xi32, #tpu.memory_space<vmem>>, vector<16xi32>,
      %parallel_loop3A_78 = arith.constant 384 : i32
      %parallel_loop3A_79 = vector.broadcast %parallel_loop3A_78 : i32 to vector<16xi32>
      %parallel_loop3A_80 = arith.addi %parallel_loop3A_50, %parallel_loop3A_79 : vector<16xi32>
      %parallel_loop3A_81 = arith.constant 1536 : i32
      %parallel_loop3A_82 = arith.addi %parallel_loop3A_81, %parallel_loop3A_30 : i32
      %parallel_loop3A_83 = arith.index_cast %parallel_loop3A_82 : i32 to index
      %parallel_loop3A_84 = tpu.vector_load %arg15[%parallel_loop3A_83] {strides = array<i32>} : memref<16384xi32, #tpu.memory_space<vmem>>, vector<16xi32>,
      %parallel_loop3A_85 = vector.shape_cast %parallel_loop3A_84 : vector<16xi32> to vector<16xi32>
      %parallel_loop3A_86 = vector.shape_cast %parallel_loop3A_80 : vector<16xi32> to vector<16xi32>
      tpu.vector_store %arg15[%parallel_loop3A_83], %parallel_loop3A_86 {strides = array<i32>} : memref<16384xi32, #tpu.memory_space<vmem>>, vector<16xi32>,
      %parallel_loop3A_87 = arith.constant 512 : i32
      %parallel_loop3A_88 = vector.broadcast %parallel_loop3A_87 : i32 to vector<16xi32>
      %parallel_loop3A_89 = arith.addi %parallel_loop3A_50, %parallel_loop3A_88 : vector<16xi32>
      %parallel_loop3A_90 = arith.constant 2048 : i32
      %parallel_loop3A_91 = arith.addi %parallel_loop3A_90, %parallel_loop3A_30 : i32
      %parallel_loop3A_92 = arith.index_cast %parallel_loop3A_91 : i32 to index
      %parallel_loop3A_93 = tpu.vector_load %arg15[%parallel_loop3A_92] {strides = array<i32>} : memref<16384xi32, #tpu.memory_space<vmem>>, vector<16xi32>,
      %parallel_loop3A_94 = vector.shape_cast %parallel_loop3A_93 : vector<16xi32> to vector<16xi32>
      %parallel_loop3A_95 = vector.shape_cast %parallel_loop3A_89 : vector<16xi32> to vector<16xi32>
      tpu.vector_store %arg15[%parallel_loop3A_92], %parallel_loop3A_95 {strides = array<i32>} : memref<16384xi32, #tpu.memory_space<vmem>>, vector<16xi32>,
      %parallel_loop3A_96 = arith.constant 640 : i32
      %parallel_loop3A_97 = vector.broadcast %parallel_loop3A_96 : i32 to vector<16xi32>
      %parallel_loop3A_98 = arith.addi %parallel_loop3A_50, %parallel_loop3A_97 : vector<16xi32>
      %parallel_loop3A_99 = arith.constant 2560 : i32
      %parallel_loop3A_100 = arith.addi %parallel_loop3A_99, %parallel_loop3A_30 : i32
      %parallel_loop3A_101 = arith.index_cast %parallel_loop3A_100 : i32 to index
      %parallel_loop3A_102 = tpu.vector_load %arg15[%parallel_loop3A_101] {strides = array<i32>} : memref<16384xi32, #tpu.memory_space<vmem>>, vector<16xi32>,
      %parallel_loop3A_103 = vector.shape_cast %parallel_loop3A_102 : vector<16xi32> to vector<16xi32>
      %parallel_loop3A_104 = vector.shape_cast %parallel_loop3A_98 : vector<16xi32> to vector<16xi32>
      tpu.vector_store %arg15[%parallel_loop3A_101], %parallel_loop3A_104 {strides = array<i32>} : memref<16384xi32, #tpu.memory_space<vmem>>, vector<16xi32>,
      %parallel_loop3A_105 = arith.constant 768 : i32
      %parallel_loop3A_106 = vector.broadcast %parallel_loop3A_105 : i32 to vector<16xi32>
      %parallel_loop3A_107 = arith.addi %parallel_loop3A_50, %parallel_loop3A_106 : vector<16xi32>
      %parallel_loop3A_108 = arith.constant 3072 : i32
      %parallel_loop3A_109 = arith.addi %parallel_loop3A_108, %parallel_loop3A_30 : i32
      %parallel_loop3A_110 = arith.index_cast %parallel_loop3A_109 : i32 to index
      %parallel_loop3A_111 = tpu.vector_load %arg15[%parallel_loop3A_110] {strides = array<i32>} : memref<16384xi32, #tpu.memory_space<vmem>>, vector<16xi32>,
      %parallel_loop3A_112 = vector.shape_cast %parallel_loop3A_111 : vector<16xi32> to vector<16xi32>
      %parallel_loop3A_113 = vector.shape_cast %parallel_loop3A_107 : vector<16xi32> to vector<16xi32>
      tpu.vector_store %arg15[%parallel_loop3A_110], %parallel_loop3A_113 {strides = array<i32>} : memref<16384xi32, #tpu.memory_space<vmem>>, vector<16xi32>,
      %parallel_loop3A_114 = arith.constant 896 : i32
      %parallel_loop3A_115 = vector.broadcast %parallel_loop3A_114 : i32 to vector<16xi32>
      %parallel_loop3A_116 = arith.addi %parallel_loop3A_50, %parallel_loop3A_115 : vector<16xi32>
      %parallel_loop3A_117 = arith.constant 3584 : i32
      %parallel_loop3A_118 = arith.addi %parallel_loop3A_117, %parallel_loop3A_30 : i32
      %parallel_loop3A_119 = arith.index_cast %parallel_loop3A_118 : i32 to index
      %parallel_loop3A_120 = tpu.vector_load %arg15[%parallel_loop3A_119] {strides = array<i32>} : memref<16384xi32, #tpu.memory_space<vmem>>, vector<16xi32>,
      %parallel_loop3A_121 = vector.shape_cast %parallel_loop3A_120 : vector<16xi32> to vector<16xi32>
      %parallel_loop3A_122 = vector.shape_cast %parallel_loop3A_116 : vector<16xi32> to vector<16xi32>
      tpu.vector_store %arg15[%parallel_loop3A_119], %parallel_loop3A_122 {strides = array<i32>} : memref<16384xi32, #tpu.memory_space<vmem>>, vector<16xi32>,
      %parallel_loop3A_123 = arith.constant 16000000 : i32
      %parallel_loop3A_124 = vector.broadcast %parallel_loop3A_123 : i32 to vector<16xi32>
      %parallel_loop3A_125 = arith.addi %parallel_loop3A_50, %parallel_loop3A_124 : vector<16xi32>
      %parallel_loop3A_126 = arith.constant 4096 : i32
      %parallel_loop3A_127 = arith.addi %parallel_loop3A_126, %parallel_loop3A_30 : i32
      %parallel_loop3A_128 = arith.index_cast %parallel_loop3A_127 : i32 to index
      %parallel_loop3A_129 = tpu.vector_load %arg15[%parallel_loop3A_128] {strides = array<i32>} : memref<16384xi32, #tpu.memory_space<vmem>>, vector<16xi32>,
      %parallel_loop3A_130 = vector.shape_cast %parallel_loop3A_129 : vector<16xi32> to vector<16xi32>
      %parallel_loop3A_131 = vector.shape_cast %parallel_loop3A_125 : vector<16xi32> to vector<16xi32>
      tpu.vector_store %arg15[%parallel_loop3A_128], %parallel_loop3A_131 {strides = array<i32>} : memref<16384xi32, #tpu.memory_space<vmem>>, vector<16xi32>,
      %parallel_loop3A_132 = arith.constant 16000128 : i32
      %parallel_loop3A_133 = vector.broadcast %parallel_loop3A_132 : i32 to vector<16xi32>
      %parallel_loop3A_134 = arith.addi %parallel_loop3A_50, %parallel_loop3A_133 : vector<16xi32>
      %parallel_loop3A_135 = arith.constant 4608 : i32
      %parallel_loop3A_136 = arith.addi %parallel_loop3A_135, %parallel_loop3A_30 : i32
      %parallel_loop3A_137 = arith.index_cast %parallel_loop3A_136 : i32 to index
      %parallel_loop3A_138 = tpu.vector_load %arg15[%parallel_loop3A_137] {strides = array<i32>} : memref<16384xi32, #tpu.memory_space<vmem>>, vector<16xi32>,
      %parallel_loop3A_139 = vector.shape_cast %parallel_loop3A_138 : vector<16xi32> to vector<16xi32>
      %parallel_loop3A_140 = vector.shape_cast %parallel_loop3A_134 : vector<16xi32> to vector<16xi32>
      tpu.vector_store %arg15[%parallel_loop3A_137], %parallel_loop3A_140 {strides = array<i32>} : memref<16384xi32, #tpu.memory_space<vmem>>, vector<16xi32>,
      %parallel_loop3A_141 = arith.constant 16000256 : i32
      %parallel_loop3A_142 = vector.broadcast %parallel_loop3A_141 : i32 to vector<16xi32>
      %parallel_loop3A_143 = arith.addi %parallel_loop3A_50, %parallel_loop3A_142 : vector<16xi32>
      %parallel_loop3A_144 = arith.constant 5120 : i32
      %parallel_loop3A_145 = arith.addi %parallel_loop3A_144, %parallel_loop3A_30 : i32
      %parallel_loop3A_146 = arith.index_cast %parallel_loop3A_145 : i32 to index
      %parallel_loop3A_147 = tpu.vector_load %arg15[%parallel_loop3A_146] {strides = array<i32>} : memref<16384xi32, #tpu.memory_space<vmem>>, vector<16xi32>,
      %parallel_loop3A_148 = vector.shape_cast %parallel_loop3A_147 : vector<16xi32> to vector<16xi32>
      %parallel_loop3A_149 = vector.shape_cast %parallel_loop3A_143 : vector<16xi32> to vector<16xi32>
      tpu.vector_store %arg15[%parallel_loop3A_146], %parallel_loop3A_149 {strides = array<i32>} : memref<16384xi32, #tpu.memory_space<vmem>>, vector<16xi32>,
      %parallel_loop3A_150 = arith.constant 16000384 : i32
      %parallel_loop3A_151 = vector.broadcast %parallel_loop3A_150 : i32 to vector<16xi32>
      %parallel_loop3A_152 = arith.addi %parallel_loop3A_50, %parallel_loop3A_151 : vector<16xi32>
      %parallel_loop3A_153 = arith.constant 5632 : i32
      %parallel_loop3A_154 = arith.addi %parallel_loop3A_153, %parallel_loop3A_30 : i32
      %parallel_loop3A_155 = arith.index_cast %parallel_loop3A_154 : i32 to index
      %parallel_loop3A_156 = tpu.vector_load %arg15[%parallel_loop3A_155] {strides = array<i32>} : memref<16384xi32, #tpu.memory_space<vmem>>, vector<16xi32>,
      %parallel_loop3A_157 = vector.shape_cast %parallel_loop3A_156 : vector<16xi32> to vector<16xi32>
      %parallel_loop3A_158 = vector.shape_cast %parallel_loop3A_152 : vector<16xi32> to vector<16xi32>
      tpu.vector_store %arg15[%parallel_loop3A_155], %parallel_loop3A_158 {strides = array<i32>} : memref<16384xi32, #tpu.memory_space<vmem>>, vector<16xi32>,
      %parallel_loop3A_159 = arith.constant 16000512 : i32
      %parallel_loop3A_160 = vector.broadcast %parallel_loop3A_159 : i32 to vector<16xi32>
      %parallel_loop3A_161 = arith.addi %parallel_loop3A_50, %parallel_loop3A_160 : vector<16xi32>
      %parallel_loop3A_162 = arith.constant 6144 : i32
      %parallel_loop3A_163 = arith.addi %parallel_loop3A_162, %parallel_loop3A_30 : i32
      %parallel_loop3A_164 = arith.index_cast %parallel_loop3A_163 : i32 to index
      %parallel_loop3A_165 = tpu.vector_load %arg15[%parallel_loop3A_164] {strides = array<i32>} : memref<16384xi32, #tpu.memory_space<vmem>>, vector<16xi32>,
      %parallel_loop3A_166 = vector.shape_cast %parallel_loop3A_165 : vector<16xi32> to vector<16xi32>
      %parallel_loop3A_167 = vector.shape_cast %parallel_loop3A_161 : vector<16xi32> to vector<16xi32>
      tpu.vector_store %arg15[%parallel_loop3A_164], %parallel_loop3A_167 {strides = array<i32>} : memref<16384xi32, #tpu.memory_space<vmem>>, vector<16xi32>,
      %parallel_loop3A_168 = arith.constant 16000640 : i32
      %parallel_loop3A_169 = vector.broadcast %parallel_loop3A_168 : i32 to vector<16xi32>
      %parallel_loop3A_170 = arith.addi %parallel_loop3A_50, %parallel_loop3A_169 : vector<16xi32>
      %parallel_loop3A_171 = arith.constant 6656 : i32
      %parallel_loop3A_172 = arith.addi %parallel_loop3A_171, %parallel_loop3A_30 : i32
      %parallel_loop3A_173 = arith.index_cast %parallel_loop3A_172 : i32 to index
      %parallel_loop3A_174 = tpu.vector_load %arg15[%parallel_loop3A_173] {strides = array<i32>} : memref<16384xi32, #tpu.memory_space<vmem>>, vector<16xi32>,
      %parallel_loop3A_175 = vector.shape_cast %parallel_loop3A_174 : vector<16xi32> to vector<16xi32>
      %parallel_loop3A_176 = vector.shape_cast %parallel_loop3A_170 : vector<16xi32> to vector<16xi32>
      tpu.vector_store %arg15[%parallel_loop3A_173], %parallel_loop3A_176 {strides = array<i32>} : memref<16384xi32, #tpu.memory_space<vmem>>, vector<16xi32>,
      %parallel_loop3A_177 = arith.constant 16000768 : i32
      %parallel_loop3A_178 = vector.broadcast %parallel_loop3A_177 : i32 to vector<16xi32>
      %parallel_loop3A_179 = arith.addi %parallel_loop3A_50, %parallel_loop3A_178 : vector<16xi32>
      %parallel_loop3A_180 = arith.constant 7168 : i32
      %parallel_loop3A_181 = arith.addi %parallel_loop3A_180, %parallel_loop3A_30 : i32
      %parallel_loop3A_182 = arith.index_cast %parallel_loop3A_181 : i32 to index
      %parallel_loop3A_183 = tpu.vector_load %arg15[%parallel_loop3A_182] {strides = array<i32>} : memref<16384xi32, #tpu.memory_space<vmem>>, vector<16xi32>,
      %parallel_loop3A_184 = vector.shape_cast %parallel_loop3A_183 : vector<16xi32> to vector<16xi32>
      %parallel_loop3A_185 = vector.shape_cast %parallel_loop3A_179 : vector<16xi32> to vector<16xi32>
      tpu.vector_store %arg15[%parallel_loop3A_182], %parallel_loop3A_185 {strides = array<i32>} : memref<16384xi32, #tpu.memory_space<vmem>>, vector<16xi32>,
      %parallel_loop3A_186 = arith.constant 16000896 : i32
      %parallel_loop3A_187 = vector.broadcast %parallel_loop3A_186 : i32 to vector<16xi32>
      %parallel_loop3A_188 = arith.addi %parallel_loop3A_50, %parallel_loop3A_187 : vector<16xi32>
      %parallel_loop3A_189 = arith.constant 7680 : i32
      %parallel_loop3A_190 = arith.addi %parallel_loop3A_189, %parallel_loop3A_30 : i32
      %parallel_loop3A_191 = arith.index_cast %parallel_loop3A_190 : i32 to index
      %parallel_loop3A_192 = tpu.vector_load %arg15[%parallel_loop3A_191] {strides = array<i32>} : memref<16384xi32, #tpu.memory_space<vmem>>, vector<16xi32>,
      %parallel_loop3A_193 = vector.shape_cast %parallel_loop3A_192 : vector<16xi32> to vector<16xi32>
      %parallel_loop3A_194 = vector.shape_cast %parallel_loop3A_188 : vector<16xi32> to vector<16xi32>
      tpu.vector_store %arg15[%parallel_loop3A_191], %parallel_loop3A_194 {strides = array<i32>} : memref<16384xi32, #tpu.memory_space<vmem>>, vector<16xi32>,
      %parallel_loop3A_195 = arith.constant 32000000 : i32
      %parallel_loop3A_196 = vector.broadcast %parallel_loop3A_195 : i32 to vector<16xi32>
      %parallel_loop3A_197 = arith.addi %parallel_loop3A_50, %parallel_loop3A_196 : vector<16xi32>
      %parallel_loop3A_198 = arith.constant 8192 : i32
      %parallel_loop3A_199 = arith.addi %parallel_loop3A_198, %parallel_loop3A_30 : i32
      %parallel_loop3A_200 = arith.index_cast %parallel_loop3A_199 : i32 to index
      %parallel_loop3A_201 = tpu.vector_load %arg15[%parallel_loop3A_200] {strides = array<i32>} : memref<16384xi32, #tpu.memory_space<vmem>>, vector<16xi32>,
      %parallel_loop3A_202 = vector.shape_cast %parallel_loop3A_201 : vector<16xi32> to vector<16xi32>
      %parallel_loop3A_203 = vector.shape_cast %parallel_loop3A_197 : vector<16xi32> to vector<16xi32>
      tpu.vector_store %arg15[%parallel_loop3A_200], %parallel_loop3A_203 {strides = array<i32>} : memref<16384xi32, #tpu.memory_space<vmem>>, vector<16xi32>,
      %parallel_loop3A_204 = arith.constant 32000128 : i32
      %parallel_loop3A_205 = vector.broadcast %parallel_loop3A_204 : i32 to vector<16xi32>
      %parallel_loop3A_206 = arith.addi %parallel_loop3A_50, %parallel_loop3A_205 : vector<16xi32>
      %parallel_loop3A_207 = arith.constant 8704 : i32
      %parallel_loop3A_208 = arith.addi %parallel_loop3A_207, %parallel_loop3A_30 : i32
      %parallel_loop3A_209 = arith.index_cast %parallel_loop3A_208 : i32 to index
      %parallel_loop3A_210 = tpu.vector_load %arg15[%parallel_loop3A_209] {strides = array<i32>} : memref<16384xi32, #tpu.memory_space<vmem>>, vector<16xi32>,
      %parallel_loop3A_211 = vector.shape_cast %parallel_loop3A_210 : vector<16xi32> to vector<16xi32>
      %parallel_loop3A_212 = vector.shape_cast %parallel_loop3A_206 : vector<16xi32> to vector<16xi32>
      tpu.vector_store %arg15[%parallel_loop3A_209], %parallel_loop3A_212 {strides = array<i32>} : memref<16384xi32, #tpu.memory_space<vmem>>, vector<16xi32>,
      %parallel_loop3A_213 = arith.constant 32000256 : i32
      %parallel_loop3A_214 = vector.broadcast %parallel_loop3A_213 : i32 to vector<16xi32>
      %parallel_loop3A_215 = arith.addi %parallel_loop3A_50, %parallel_loop3A_214 : vector<16xi32>
      %parallel_loop3A_216 = arith.constant 9216 : i32
      %parallel_loop3A_217 = arith.addi %parallel_loop3A_216, %parallel_loop3A_30 : i32
      %parallel_loop3A_218 = arith.index_cast %parallel_loop3A_217 : i32 to index
      %parallel_loop3A_219 = tpu.vector_load %arg15[%parallel_loop3A_218] {strides = array<i32>} : memref<16384xi32, #tpu.memory_space<vmem>>, vector<16xi32>,
      %parallel_loop3A_220 = vector.shape_cast %parallel_loop3A_219 : vector<16xi32> to vector<16xi32>
      %parallel_loop3A_221 = vector.shape_cast %parallel_loop3A_215 : vector<16xi32> to vector<16xi32>
      tpu.vector_store %arg15[%parallel_loop3A_218], %parallel_loop3A_221 {strides = array<i32>} : memref<16384xi32, #tpu.memory_space<vmem>>, vector<16xi32>,
      %parallel_loop3A_222 = arith.constant 32000384 : i32
      %parallel_loop3A_223 = vector.broadcast %parallel_loop3A_222 : i32 to vector<16xi32>
      %parallel_loop3A_224 = arith.addi %parallel_loop3A_50, %parallel_loop3A_223 : vector<16xi32>
      %parallel_loop3A_225 = arith.constant 9728 : i32
      %parallel_loop3A_226 = arith.addi %parallel_loop3A_225, %parallel_loop3A_30 : i32
      %parallel_loop3A_227 = arith.index_cast %parallel_loop3A_226 : i32 to index
      %parallel_loop3A_228 = tpu.vector_load %arg15[%parallel_loop3A_227] {strides = array<i32>} : memref<16384xi32, #tpu.memory_space<vmem>>, vector<16xi32>,
      %parallel_loop3A_229 = vector.shape_cast %parallel_loop3A_228 : vector<16xi32> to vector<16xi32>
      %parallel_loop3A_230 = vector.shape_cast %parallel_loop3A_224 : vector<16xi32> to vector<16xi32>
      tpu.vector_store %arg15[%parallel_loop3A_227], %parallel_loop3A_230 {strides = array<i32>} : memref<16384xi32, #tpu.memory_space<vmem>>, vector<16xi32>,
      %parallel_loop3A_231 = arith.constant 32000512 : i32
      %parallel_loop3A_232 = vector.broadcast %parallel_loop3A_231 : i32 to vector<16xi32>
      %parallel_loop3A_233 = arith.addi %parallel_loop3A_50, %parallel_loop3A_232 : vector<16xi32>
      %parallel_loop3A_234 = arith.constant 10240 : i32
      %parallel_loop3A_235 = arith.addi %parallel_loop3A_234, %parallel_loop3A_30 : i32
      %parallel_loop3A_236 = arith.index_cast %parallel_loop3A_235 : i32 to index
      %parallel_loop3A_237 = tpu.vector_load %arg15[%parallel_loop3A_236] {strides = array<i32>} : memref<16384xi32, #tpu.memory_space<vmem>>, vector<16xi32>,
      %parallel_loop3A_238 = vector.shape_cast %parallel_loop3A_237 : vector<16xi32> to vector<16xi32>
      %parallel_loop3A_239 = vector.shape_cast %parallel_loop3A_233 : vector<16xi32> to vector<16xi32>
      tpu.vector_store %arg15[%parallel_loop3A_236], %parallel_loop3A_239 {strides = array<i32>} : memref<16384xi32, #tpu.memory_space<vmem>>, vector<16xi32>,
      %parallel_loop3A_240 = arith.constant 32000640 : i32
      %parallel_loop3A_241 = vector.broadcast %parallel_loop3A_240 : i32 to vector<16xi32>
      %parallel_loop3A_242 = arith.addi %parallel_loop3A_50, %parallel_loop3A_241 : vector<16xi32>
      %parallel_loop3A_243 = arith.constant 10752 : i32
      %parallel_loop3A_244 = arith.addi %parallel_loop3A_243, %parallel_loop3A_30 : i32
      %parallel_loop3A_245 = arith.index_cast %parallel_loop3A_244 : i32 to index
      %parallel_loop3A_246 = tpu.vector_load %arg15[%parallel_loop3A_245] {strides = array<i32>} : memref<16384xi32, #tpu.memory_space<vmem>>, vector<16xi32>,
      %parallel_loop3A_247 = vector.shape_cast %parallel_loop3A_246 : vector<16xi32> to vector<16xi32>
      %parallel_loop3A_248 = vector.shape_cast %parallel_loop3A_242 : vector<16xi32> to vector<16xi32>
      tpu.vector_store %arg15[%parallel_loop3A_245], %parallel_loop3A_248 {strides = array<i32>} : memref<16384xi32, #tpu.memory_space<vmem>>, vector<16xi32>,
      %parallel_loop3A_249 = arith.constant 32000768 : i32
      %parallel_loop3A_250 = vector.broadcast %parallel_loop3A_249 : i32 to vector<16xi32>
      %parallel_loop3A_251 = arith.addi %parallel_loop3A_50, %parallel_loop3A_250 : vector<16xi32>
      %parallel_loop3A_252 = arith.constant 11264 : i32
      %parallel_loop3A_253 = arith.addi %parallel_loop3A_252, %parallel_loop3A_30 : i32
      %parallel_loop3A_254 = arith.index_cast %parallel_loop3A_253 : i32 to index
      %parallel_loop3A_255 = tpu.vector_load %arg15[%parallel_loop3A_254] {strides = array<i32>} : memref<16384xi32, #tpu.memory_space<vmem>>, vector<16xi32>,
      %parallel_loop3A_256 = vector.shape_cast %parallel_loop3A_255 : vector<16xi32> to vector<16xi32>
      %parallel_loop3A_257 = vector.shape_cast %parallel_loop3A_251 : vector<16xi32> to vector<16xi32>
      tpu.vector_store %arg15[%parallel_loop3A_254], %parallel_loop3A_257 {strides = array<i32>} : memref<16384xi32, #tpu.memory_space<vmem>>, vector<16xi32>,
      %parallel_loop3A_258 = arith.constant 32000896 : i32
      %parallel_loop3A_259 = vector.broadcast %parallel_loop3A_258 : i32 to vector<16xi32>
      %parallel_loop3A_260 = arith.addi %parallel_loop3A_50, %parallel_loop3A_259 : vector<16xi32>
      %parallel_loop3A_261 = arith.constant 11776 : i32
      %parallel_loop3A_262 = arith.addi %parallel_loop3A_261, %parallel_loop3A_30 : i32
      %parallel_loop3A_263 = arith.index_cast %parallel_loop3A_262 : i32 to index
      %parallel_loop3A_264 = tpu.vector_load %arg15[%parallel_loop3A_263] {strides = array<i32>} : memref<16384xi32, #tpu.memory_space<vmem>>, vector<16xi32>,
      %parallel_loop3A_265 = vector.shape_cast %parallel_loop3A_264 : vector<16xi32> to vector<16xi32>
      %parallel_loop3A_266 = vector.shape_cast %parallel_loop3A_260 : vector<16xi32> to vector<16xi32>
      tpu.vector_store %arg15[%parallel_loop3A_263], %parallel_loop3A_266 {strides = array<i32>} : memref<16384xi32, #tpu.memory_space<vmem>>, vector<16xi32>,
      %parallel_loop3A_267 = arith.constant 48000000 : i32
      %parallel_loop3A_268 = vector.broadcast %parallel_loop3A_267 : i32 to vector<16xi32>
      %parallel_loop3A_269 = arith.addi %parallel_loop3A_50, %parallel_loop3A_268 : vector<16xi32>
      %parallel_loop3A_270 = arith.constant 12288 : i32
      %parallel_loop3A_271 = arith.addi %parallel_loop3A_270, %parallel_loop3A_30 : i32
      %parallel_loop3A_272 = arith.index_cast %parallel_loop3A_271 : i32 to index
      %parallel_loop3A_273 = tpu.vector_load %arg15[%parallel_loop3A_272] {strides = array<i32>} : memref<16384xi32, #tpu.memory_space<vmem>>, vector<16xi32>,
      %parallel_loop3A_274 = vector.shape_cast %parallel_loop3A_273 : vector<16xi32> to vector<16xi32>
      %parallel_loop3A_275 = vector.shape_cast %parallel_loop3A_269 : vector<16xi32> to vector<16xi32>
      tpu.vector_store %arg15[%parallel_loop3A_272], %parallel_loop3A_275 {strides = array<i32>} : memref<16384xi32, #tpu.memory_space<vmem>>, vector<16xi32>,
      %parallel_loop3A_276 = arith.constant 48000128 : i32
      %parallel_loop3A_277 = vector.broadcast %parallel_loop3A_276 : i32 to vector<16xi32>
      %parallel_loop3A_278 = arith.addi %parallel_loop3A_50, %parallel_loop3A_277 : vector<16xi32>
      %parallel_loop3A_279 = arith.constant 12800 : i32
      %parallel_loop3A_280 = arith.addi %parallel_loop3A_279, %parallel_loop3A_30 : i32
      %parallel_loop3A_281 = arith.index_cast %parallel_loop3A_280 : i32 to index
      %parallel_loop3A_282 = tpu.vector_load %arg15[%parallel_loop3A_281] {strides = array<i32>} : memref<16384xi32, #tpu.memory_space<vmem>>, vector<16xi32>,
      %parallel_loop3A_283 = vector.shape_cast %parallel_loop3A_282 : vector<16xi32> to vector<16xi32>
      %parallel_loop3A_284 = vector.shape_cast %parallel_loop3A_278 : vector<16xi32> to vector<16xi32>
      tpu.vector_store %arg15[%parallel_loop3A_281], %parallel_loop3A_284 {strides = array<i32>} : memref<16384xi32, #tpu.memory_space<vmem>>, vector<16xi32>,
      %parallel_loop3A_285 = arith.constant 48000256 : i32
      %parallel_loop3A_286 = vector.broadcast %parallel_loop3A_285 : i32 to vector<16xi32>
      %parallel_loop3A_287 = arith.addi %parallel_loop3A_50, %parallel_loop3A_286 : vector<16xi32>
      %parallel_loop3A_288 = arith.constant 13312 : i32
      %parallel_loop3A_289 = arith.addi %parallel_loop3A_288, %parallel_loop3A_30 : i32
      %parallel_loop3A_290 = arith.index_cast %parallel_loop3A_289 : i32 to index
      %parallel_loop3A_291 = tpu.vector_load %arg15[%parallel_loop3A_290] {strides = array<i32>} : memref<16384xi32, #tpu.memory_space<vmem>>, vector<16xi32>,
      %parallel_loop3A_292 = vector.shape_cast %parallel_loop3A_291 : vector<16xi32> to vector<16xi32>
      %parallel_loop3A_293 = vector.shape_cast %parallel_loop3A_287 : vector<16xi32> to vector<16xi32>
      tpu.vector_store %arg15[%parallel_loop3A_290], %parallel_loop3A_293 {strides = array<i32>} : memref<16384xi32, #tpu.memory_space<vmem>>, vector<16xi32>,
      %parallel_loop3A_294 = arith.constant 48000384 : i32
      %parallel_loop3A_295 = vector.broadcast %parallel_loop3A_294 : i32 to vector<16xi32>
      %parallel_loop3A_296 = arith.addi %parallel_loop3A_50, %parallel_loop3A_295 : vector<16xi32>
      %parallel_loop3A_297 = arith.constant 13824 : i32
      %parallel_loop3A_298 = arith.addi %parallel_loop3A_297, %parallel_loop3A_30 : i32
      %parallel_loop3A_299 = arith.index_cast %parallel_loop3A_298 : i32 to index
      %parallel_loop3A_300 = tpu.vector_load %arg15[%parallel_loop3A_299] {strides = array<i32>} : memref<16384xi32, #tpu.memory_space<vmem>>, vector<16xi32>,
      %parallel_loop3A_301 = vector.shape_cast %parallel_loop3A_300 : vector<16xi32> to vector<16xi32>
      %parallel_loop3A_302 = vector.shape_cast %parallel_loop3A_296 : vector<16xi32> to vector<16xi32>
      tpu.vector_store %arg15[%parallel_loop3A_299], %parallel_loop3A_302 {strides = array<i32>} : memref<16384xi32, #tpu.memory_space<vmem>>, vector<16xi32>,
      %parallel_loop3A_303 = arith.constant 48000512 : i32
      %parallel_loop3A_304 = vector.broadcast %parallel_loop3A_303 : i32 to vector<16xi32>
      %parallel_loop3A_305 = arith.addi %parallel_loop3A_50, %parallel_loop3A_304 : vector<16xi32>
      %parallel_loop3A_306 = arith.constant 14336 : i32
      %parallel_loop3A_307 = arith.addi %parallel_loop3A_306, %parallel_loop3A_30 : i32
      %parallel_loop3A_308 = arith.index_cast %parallel_loop3A_307 : i32 to index
      %parallel_loop3A_309 = tpu.vector_load %arg15[%parallel_loop3A_308] {strides = array<i32>} : memref<16384xi32, #tpu.memory_space<vmem>>, vector<16xi32>,
      %parallel_loop3A_310 = vector.shape_cast %parallel_loop3A_309 : vector<16xi32> to vector<16xi32>
      %parallel_loop3A_311 = vector.shape_cast %parallel_loop3A_305 : vector<16xi32> to vector<16xi32>
      tpu.vector_store %arg15[%parallel_loop3A_308], %parallel_loop3A_311 {strides = array<i32>} : memref<16384xi32, #tpu.memory_space<vmem>>, vector<16xi32>,
      %parallel_loop3A_312 = arith.constant 48000640 : i32
      %parallel_loop3A_313 = vector.broadcast %parallel_loop3A_312 : i32 to vector<16xi32>
      %parallel_loop3A_314 = arith.addi %parallel_loop3A_50, %parallel_loop3A_313 : vector<16xi32>
      %parallel_loop3A_315 = arith.constant 14848 : i32
      %parallel_loop3A_316 = arith.addi %parallel_loop3A_315, %parallel_loop3A_30 : i32
      %parallel_loop3A_317 = arith.index_cast %parallel_loop3A_316 : i32 to index
      %parallel_loop3A_318 = tpu.vector_load %arg15[%parallel_loop3A_317] {strides = array<i32>} : memref<16384xi32, #tpu.memory_space<vmem>>, vector<16xi32>,
      %parallel_loop3A_319 = vector.shape_cast %parallel_loop3A_318 : vector<16xi32> to vector<16xi32>
      %parallel_loop3A_320 = vector.shape_cast %parallel_loop3A_314 : vector<16xi32> to vector<16xi32>
      tpu.vector_store %arg15[%parallel_loop3A_317], %parallel_loop3A_320 {strides = array<i32>} : memref<16384xi32, #tpu.memory_space<vmem>>, vector<16xi32>,
      %parallel_loop3A_321 = arith.constant 48000768 : i32
      %parallel_loop3A_322 = vector.broadcast %parallel_loop3A_321 : i32 to vector<16xi32>
      %parallel_loop3A_323 = arith.addi %parallel_loop3A_50, %parallel_loop3A_322 : vector<16xi32>
      %parallel_loop3A_324 = arith.constant 15360 : i32
      %parallel_loop3A_325 = arith.addi %parallel_loop3A_324, %parallel_loop3A_30 : i32
      %parallel_loop3A_326 = arith.index_cast %parallel_loop3A_325 : i32 to index
      %parallel_loop3A_327 = tpu.vector_load %arg15[%parallel_loop3A_326] {strides = array<i32>} : memref<16384xi32, #tpu.memory_space<vmem>>, vector<16xi32>,
      %parallel_loop3A_328 = vector.shape_cast %parallel_loop3A_327 : vector<16xi32> to vector<16xi32>
      %parallel_loop3A_329 = vector.shape_cast %parallel_loop3A_323 : vector<16xi32> to vector<16xi32>
      tpu.vector_store %arg15[%parallel_loop3A_326], %parallel_loop3A_329 {strides = array<i32>} : memref<16384xi32, #tpu.memory_space<vmem>>, vector<16xi32>,
      %parallel_loop3A_330 = arith.constant 48000896 : i32
      %parallel_loop3A_331 = vector.broadcast %parallel_loop3A_330 : i32 to vector<16xi32>
      %parallel_loop3A_332 = arith.addi %parallel_loop3A_50, %parallel_loop3A_331 : vector<16xi32>
      %parallel_loop3A_333 = arith.constant 15872 : i32
      %parallel_loop3A_334 = arith.addi %parallel_loop3A_333, %parallel_loop3A_30 : i32
      %parallel_loop3A_335 = arith.index_cast %parallel_loop3A_334 : i32 to index
      %parallel_loop3A_336 = tpu.vector_load %arg15[%parallel_loop3A_335] {strides = array<i32>} : memref<16384xi32, #tpu.memory_space<vmem>>, vector<16xi32>,
      %parallel_loop3A_337 = vector.shape_cast %parallel_loop3A_336 : vector<16xi32> to vector<16xi32>
      %parallel_loop3A_338 = vector.shape_cast %parallel_loop3A_332 : vector<16xi32> to vector<16xi32>
      tpu.vector_store %arg15[%parallel_loop3A_335], %parallel_loop3A_338 {strides = array<i32>} : memref<16384xi32, #tpu.memory_space<vmem>>, vector<16xi32>,
    } {sc.loop_unroll_factor = 2 : i64, sc.parallel_access}
    %dma_start3A_13 = arith.constant 0 : i32
    %dma_start3A_14 = tpu.memref_slice %arg5[%dma_start3A_13] : memref<64000000xf32, #tpu.memory_space<hbm>> -> memref<64000000xf32, #tpu.memory_space<hbm>>
    tpu.enqueue_indirect_dma source(%dma_start3A_14 : memref<64000000xf32, #tpu.memory_space<hbm>>) target(%arg17 : memref<16384xf32, #tpu.memory_space<vmem>>) offsets(%arg15 : memref<16384xi32, #tpu.memory_space<vmem>>) semaphore(%arg24 : memref<!tpu.dma_semaphore, #tpu.memory_space<semaphore_mem>>)
    %dma_wait3A = arith.constant 0 : i32
    %dma_wait3A_15 = tpu.memref_slice %arg9[%dma_wait3A] : memref<100000xf32, #tpu.memory_space<hbm>> -> memref<100000xf32, #tpu.memory_space<hbm>>
    tpu.wait_indirect_dma semaphore(%arg24 : memref<!tpu.dma_semaphore, #tpu.memory_space<semaphore_mem>>) src(%dma_wait3A_15 : memref<100000xf32, #tpu.memory_space<hbm>>) dst(%arg19 : memref<512xf32, #tpu.memory_space<vmem>>)
    %dma_wait3A_16 = arith.constant 0 : i32
    %dma_wait3A_17 = tpu.memref_slice %arg10[%dma_wait3A_16] : memref<100000xf32, #tpu.memory_space<hbm>> -> memref<100000xf32, #tpu.memory_space<hbm>>
    tpu.wait_indirect_dma semaphore(%arg24 : memref<!tpu.dma_semaphore, #tpu.memory_space<semaphore_mem>>) src(%dma_wait3A_17 : memref<100000xf32, #tpu.memory_space<hbm>>) dst(%arg20 : memref<512xf32, #tpu.memory_space<vmem>>)
    %dma_wait3A_18 = arith.constant 0 : i32
    %dma_wait3A_19 = tpu.memref_slice %arg6[%dma_wait3A_18] : memref<3203072xf32, #tpu.memory_space<hbm>> -> memref<3203072xf32, #tpu.memory_space<hbm>>
    tpu.wait_indirect_dma semaphore(%arg24 : memref<!tpu.dma_semaphore, #tpu.memory_space<semaphore_mem>>) src(%dma_wait3A_19 : memref<3203072xf32, #tpu.memory_space<hbm>>) dst(%arg18 : memref<16384xf32, #tpu.memory_space<vmem>>)
    %dma_wait3A_20 = arith.constant 0 : i32
    %dma_wait3A_21 = tpu.memref_slice %arg5[%dma_wait3A_20] : memref<64000000xf32, #tpu.memory_space<hbm>> -> memref<64000000xf32, #tpu.memory_space<hbm>>
    tpu.wait_indirect_dma semaphore(%arg24 : memref<!tpu.dma_semaphore, #tpu.memory_space<semaphore_mem>>) src(%dma_wait3A_21 : memref<64000000xf32, #tpu.memory_space<hbm>>) dst(%arg17 : memref<16384xf32, #tpu.memory_space<vmem>>)
    %get3A = arith.constant 0 : index
    %get3A_22 = tpu.vector_load %arg21[%get3A] {strides = array<i32>} : memref<32xf32, #tpu.memory_space<vmem>>, vector<16xf32>,
    %get3A_23 = vector.shape_cast %get3A_22 : vector<16xf32> to vector<16xf32>
    %get3A_24 = arith.constant 16 : index
    %get3A_25 = tpu.vector_load %arg21[%get3A_24] {strides = array<i32>} : memref<32xf32, #tpu.memory_space<vmem>>, vector<16xf32>,
    %get3A_26 = vector.shape_cast %get3A_25 : vector<16xf32> to vector<16xf32>
    %parallel_loop3A_27 = arith.constant 0 : i32
    %parallel_loop3A_28 = arith.constant 512 : i32
    %parallel_loop3A_29 = arith.constant 16 : i32
    scf.for %parallel_loop3A_30 = %parallel_loop3A_27 to %parallel_loop3A_28 step %parallel_loop3A_29  : i32 {
      %parallel_loop3A_31 = arith.index_cast %parallel_loop3A_30 : i32 to index
      %parallel_loop3A_32 = tpu.vector_load %arg14[%parallel_loop3A_31] {strides = array<i32>} : memref<512xi32, #tpu.memory_space<vmem>>, vector<16xi32>,
      %parallel_loop3A_33 = vector.shape_cast %parallel_loop3A_32 : vector<16xi32> to vector<16xi32>
      %parallel_loop3A_34 = arith.constant 15 : i32
      %parallel_loop3A_35 = vector.broadcast %parallel_loop3A_34 : i32 to vector<16xi32>
      %parallel_loop3A_36 = arith.andi %parallel_loop3A_33, %parallel_loop3A_35 : vector<16xi32>
      %parallel_loop3A_37 = arith.constant 0 : i32
      %parallel_loop3A_38 = vector.broadcast %parallel_loop3A_37 : i32 to vector<16xi32>
      %parallel_loop3A_39 = arith.cmpi slt, %parallel_loop3A_36, %parallel_loop3A_38 : vector<16xi32>
      %parallel_loop3A_40 = arith.constant 16 : i32
      %parallel_loop3A_41 = vector.broadcast %parallel_loop3A_40 : i32 to vector<16xi32>
      %parallel_loop3A_42 = arith.addi %parallel_loop3A_36, %parallel_loop3A_41 : vector<16xi32>
      %parallel_loop3A_43 = arith.select %parallel_loop3A_39, %parallel_loop3A_42, %parallel_loop3A_36 : vector<16xi1>, vector<16xi32>
      %parallel_loop3A_44 = vector.shape_cast %parallel_loop3A_43 : vector<16xi32> to vector<16x1xi32>
      %parallel_loop3A_45 = vector.shape_cast %parallel_loop3A_44 : vector<16x1xi32> to vector<16xi32>
      %parallel_loop3A_46 = tpu.dynamic_gather %get3A_23[%parallel_loop3A_45] in [0] : vector<16xf32>, vector<16xi32> -> vector<16xf32>
      %parallel_loop3A_47 = arith.constant 15 : i32
      %parallel_loop3A_48 = vector.broadcast %parallel_loop3A_47 : i32 to vector<16xi32>
      %parallel_loop3A_49 = arith.andi %parallel_loop3A_33, %parallel_loop3A_48 : vector<16xi32>
      %parallel_loop3A_50 = arith.constant 0 : i32
      %parallel_loop3A_51 = vector.broadcast %parallel_loop3A_50 : i32 to vector<16xi32>
      %parallel_loop3A_52 = arith.cmpi slt, %parallel_loop3A_49, %parallel_loop3A_51 : vector<16xi32>
      %parallel_loop3A_53 = arith.constant 16 : i32
      %parallel_loop3A_54 = vector.broadcast %parallel_loop3A_53 : i32 to vector<16xi32>
      %parallel_loop3A_55 = arith.addi %parallel_loop3A_49, %parallel_loop3A_54 : vector<16xi32>
      %parallel_loop3A_56 = arith.select %parallel_loop3A_52, %parallel_loop3A_55, %parallel_loop3A_49 : vector<16xi1>, vector<16xi32>
      %parallel_loop3A_57 = vector.shape_cast %parallel_loop3A_56 : vector<16xi32> to vector<16x1xi32>
      %parallel_loop3A_58 = vector.shape_cast %parallel_loop3A_57 : vector<16x1xi32> to vector<16xi32>
      %parallel_loop3A_59 = tpu.dynamic_gather %get3A_26[%parallel_loop3A_58] in [0] : vector<16xf32>, vector<16xi32> -> vector<16xf32>
      %parallel_loop3A_60 = arith.constant 16 : i32
      %parallel_loop3A_61 = vector.broadcast %parallel_loop3A_60 : i32 to vector<16xi32>
      %parallel_loop3A_62 = arith.cmpi slt, %parallel_loop3A_33, %parallel_loop3A_61 : vector<16xi32>
      %parallel_loop3A_63 = arith.select %parallel_loop3A_62, %parallel_loop3A_46, %parallel_loop3A_59 : vector<16xi1>, vector<16xf32>
      %parallel_loop3A_64 = arith.constant 0 : index
      %parallel_loop3A_65 = tpu.vector_load %arg22[%parallel_loop3A_64] {strides = array<i32>} : memref<16xf32, #tpu.memory_space<vmem>>, vector<16xf32>,
      %parallel_loop3A_66 = vector.shape_cast %parallel_loop3A_65 : vector<16xf32> to vector<16xf32>
      %parallel_loop3A_67 = arith.addf %parallel_loop3A_63, %parallel_loop3A_66 : vector<16xf32>
      %parallel_loop3A_68 = arith.index_cast %parallel_loop3A_30 : i32 to index
      %parallel_loop3A_69 = tpu.vector_load %arg19[%parallel_loop3A_68] {strides = array<i32>} : memref<512xf32, #tpu.memory_space<vmem>>, vector<16xf32>,
      %parallel_loop3A_70 = vector.shape_cast %parallel_loop3A_69 : vector<16xf32> to vector<16xf32>
      %parallel_loop3A_71 = arith.addf %parallel_loop3A_67, %parallel_loop3A_70 : vector<16xf32>
      %parallel_loop3A_72 = arith.index_cast %parallel_loop3A_30 : i32 to index
      %parallel_loop3A_73 = tpu.vector_load %arg20[%parallel_loop3A_72] {strides = array<i32>} : memref<512xf32, #tpu.memory_space<vmem>>, vector<16xf32>,
      %parallel_loop3A_74 = vector.shape_cast %parallel_loop3A_73 : vector<16xf32> to vector<16xf32>
      %parallel_loop3A_75 = arith.addf %parallel_loop3A_71, %parallel_loop3A_74 : vector<16xf32>
      %parallel_loop3A_76 = arith.constant 0 : i32
      %parallel_loop3A_77 = arith.addi %parallel_loop3A_76, %parallel_loop3A_30 : i32
      %parallel_loop3A_78 = arith.index_cast %parallel_loop3A_77 : i32 to index
      %parallel_loop3A_79 = tpu.vector_load %arg17[%parallel_loop3A_78] {strides = array<i32>} : memref<16384xf32, #tpu.memory_space<vmem>>, vector<16xf32>,
      %parallel_loop3A_80 = vector.shape_cast %parallel_loop3A_79 : vector<16xf32> to vector<16xf32>
      %parallel_loop3A_81 = arith.constant 0 : i32
      %parallel_loop3A_82 = arith.addi %parallel_loop3A_81, %parallel_loop3A_30 : i32
      %parallel_loop3A_83 = arith.index_cast %parallel_loop3A_82 : i32 to index
      %parallel_loop3A_84 = tpu.vector_load %arg18[%parallel_loop3A_83] {strides = array<i32>} : memref<16384xf32, #tpu.memory_space<vmem>>, vector<16xf32>,
      %parallel_loop3A_85 = vector.shape_cast %parallel_loop3A_84 : vector<16xf32> to vector<16xf32>
      %parallel_loop3A_86 = arith.mulf %parallel_loop3A_80, %parallel_loop3A_85 : vector<16xf32>
      %parallel_loop3A_87 = arith.addf %parallel_loop3A_75, %parallel_loop3A_86 : vector<16xf32>
      %parallel_loop3A_88 = arith.constant 512 : i32
      %parallel_loop3A_89 = arith.addi %parallel_loop3A_88, %parallel_loop3A_30 : i32
      %parallel_loop3A_90 = arith.index_cast %parallel_loop3A_89 : i32 to index
      %parallel_loop3A_91 = tpu.vector_load %arg17[%parallel_loop3A_90] {strides = array<i32>} : memref<16384xf32, #tpu.memory_space<vmem>>, vector<16xf32>,
      %parallel_loop3A_92 = vector.shape_cast %parallel_loop3A_91 : vector<16xf32> to vector<16xf32>
      %parallel_loop3A_93 = arith.constant 512 : i32
      %parallel_loop3A_94 = arith.addi %parallel_loop3A_93, %parallel_loop3A_30 : i32
      %parallel_loop3A_95 = arith.index_cast %parallel_loop3A_94 : i32 to index
      %parallel_loop3A_96 = tpu.vector_load %arg18[%parallel_loop3A_95] {strides = array<i32>} : memref<16384xf32, #tpu.memory_space<vmem>>, vector<16xf32>,
      %parallel_loop3A_97 = vector.shape_cast %parallel_loop3A_96 : vector<16xf32> to vector<16xf32>
      %parallel_loop3A_98 = arith.mulf %parallel_loop3A_92, %parallel_loop3A_97 : vector<16xf32>
      %parallel_loop3A_99 = arith.addf %parallel_loop3A_87, %parallel_loop3A_98 : vector<16xf32>
      %parallel_loop3A_100 = arith.constant 1024 : i32
      %parallel_loop3A_101 = arith.addi %parallel_loop3A_100, %parallel_loop3A_30 : i32
      %parallel_loop3A_102 = arith.index_cast %parallel_loop3A_101 : i32 to index
      %parallel_loop3A_103 = tpu.vector_load %arg17[%parallel_loop3A_102] {strides = array<i32>} : memref<16384xf32, #tpu.memory_space<vmem>>, vector<16xf32>,
      %parallel_loop3A_104 = vector.shape_cast %parallel_loop3A_103 : vector<16xf32> to vector<16xf32>
      %parallel_loop3A_105 = arith.constant 1024 : i32
      %parallel_loop3A_106 = arith.addi %parallel_loop3A_105, %parallel_loop3A_30 : i32
      %parallel_loop3A_107 = arith.index_cast %parallel_loop3A_106 : i32 to index
      %parallel_loop3A_108 = tpu.vector_load %arg18[%parallel_loop3A_107] {strides = array<i32>} : memref<16384xf32, #tpu.memory_space<vmem>>, vector<16xf32>,
      %parallel_loop3A_109 = vector.shape_cast %parallel_loop3A_108 : vector<16xf32> to vector<16xf32>
      %parallel_loop3A_110 = arith.mulf %parallel_loop3A_104, %parallel_loop3A_109 : vector<16xf32>
      %parallel_loop3A_111 = arith.addf %parallel_loop3A_99, %parallel_loop3A_110 : vector<16xf32>
      %parallel_loop3A_112 = arith.constant 1536 : i32
      %parallel_loop3A_113 = arith.addi %parallel_loop3A_112, %parallel_loop3A_30 : i32
      %parallel_loop3A_114 = arith.index_cast %parallel_loop3A_113 : i32 to index
      %parallel_loop3A_115 = tpu.vector_load %arg17[%parallel_loop3A_114] {strides = array<i32>} : memref<16384xf32, #tpu.memory_space<vmem>>, vector<16xf32>,
      %parallel_loop3A_116 = vector.shape_cast %parallel_loop3A_115 : vector<16xf32> to vector<16xf32>
      %parallel_loop3A_117 = arith.constant 1536 : i32
      %parallel_loop3A_118 = arith.addi %parallel_loop3A_117, %parallel_loop3A_30 : i32
      %parallel_loop3A_119 = arith.index_cast %parallel_loop3A_118 : i32 to index
      %parallel_loop3A_120 = tpu.vector_load %arg18[%parallel_loop3A_119] {strides = array<i32>} : memref<16384xf32, #tpu.memory_space<vmem>>, vector<16xf32>,
      %parallel_loop3A_121 = vector.shape_cast %parallel_loop3A_120 : vector<16xf32> to vector<16xf32>
      %parallel_loop3A_122 = arith.mulf %parallel_loop3A_116, %parallel_loop3A_121 : vector<16xf32>
      %parallel_loop3A_123 = arith.addf %parallel_loop3A_111, %parallel_loop3A_122 : vector<16xf32>
      %parallel_loop3A_124 = arith.constant 2048 : i32
      %parallel_loop3A_125 = arith.addi %parallel_loop3A_124, %parallel_loop3A_30 : i32
      %parallel_loop3A_126 = arith.index_cast %parallel_loop3A_125 : i32 to index
      %parallel_loop3A_127 = tpu.vector_load %arg17[%parallel_loop3A_126] {strides = array<i32>} : memref<16384xf32, #tpu.memory_space<vmem>>, vector<16xf32>,
      %parallel_loop3A_128 = vector.shape_cast %parallel_loop3A_127 : vector<16xf32> to vector<16xf32>
      %parallel_loop3A_129 = arith.constant 2048 : i32
      %parallel_loop3A_130 = arith.addi %parallel_loop3A_129, %parallel_loop3A_30 : i32
      %parallel_loop3A_131 = arith.index_cast %parallel_loop3A_130 : i32 to index
      %parallel_loop3A_132 = tpu.vector_load %arg18[%parallel_loop3A_131] {strides = array<i32>} : memref<16384xf32, #tpu.memory_space<vmem>>, vector<16xf32>,
      %parallel_loop3A_133 = vector.shape_cast %parallel_loop3A_132 : vector<16xf32> to vector<16xf32>
      %parallel_loop3A_134 = arith.mulf %parallel_loop3A_128, %parallel_loop3A_133 : vector<16xf32>
      %parallel_loop3A_135 = arith.addf %parallel_loop3A_123, %parallel_loop3A_134 : vector<16xf32>
      %parallel_loop3A_136 = arith.constant 2560 : i32
      %parallel_loop3A_137 = arith.addi %parallel_loop3A_136, %parallel_loop3A_30 : i32
      %parallel_loop3A_138 = arith.index_cast %parallel_loop3A_137 : i32 to index
      %parallel_loop3A_139 = tpu.vector_load %arg17[%parallel_loop3A_138] {strides = array<i32>} : memref<16384xf32, #tpu.memory_space<vmem>>, vector<16xf32>,
      %parallel_loop3A_140 = vector.shape_cast %parallel_loop3A_139 : vector<16xf32> to vector<16xf32>
      %parallel_loop3A_141 = arith.constant 2560 : i32
      %parallel_loop3A_142 = arith.addi %parallel_loop3A_141, %parallel_loop3A_30 : i32
      %parallel_loop3A_143 = arith.index_cast %parallel_loop3A_142 : i32 to index
      %parallel_loop3A_144 = tpu.vector_load %arg18[%parallel_loop3A_143] {strides = array<i32>} : memref<16384xf32, #tpu.memory_space<vmem>>, vector<16xf32>,
      %parallel_loop3A_145 = vector.shape_cast %parallel_loop3A_144 : vector<16xf32> to vector<16xf32>
      %parallel_loop3A_146 = arith.mulf %parallel_loop3A_140, %parallel_loop3A_145 : vector<16xf32>
      %parallel_loop3A_147 = arith.addf %parallel_loop3A_135, %parallel_loop3A_146 : vector<16xf32>
      %parallel_loop3A_148 = arith.constant 3072 : i32
      %parallel_loop3A_149 = arith.addi %parallel_loop3A_148, %parallel_loop3A_30 : i32
      %parallel_loop3A_150 = arith.index_cast %parallel_loop3A_149 : i32 to index
      %parallel_loop3A_151 = tpu.vector_load %arg17[%parallel_loop3A_150] {strides = array<i32>} : memref<16384xf32, #tpu.memory_space<vmem>>, vector<16xf32>,
      %parallel_loop3A_152 = vector.shape_cast %parallel_loop3A_151 : vector<16xf32> to vector<16xf32>
      %parallel_loop3A_153 = arith.constant 3072 : i32
      %parallel_loop3A_154 = arith.addi %parallel_loop3A_153, %parallel_loop3A_30 : i32
      %parallel_loop3A_155 = arith.index_cast %parallel_loop3A_154 : i32 to index
      %parallel_loop3A_156 = tpu.vector_load %arg18[%parallel_loop3A_155] {strides = array<i32>} : memref<16384xf32, #tpu.memory_space<vmem>>, vector<16xf32>,
      %parallel_loop3A_157 = vector.shape_cast %parallel_loop3A_156 : vector<16xf32> to vector<16xf32>
      %parallel_loop3A_158 = arith.mulf %parallel_loop3A_152, %parallel_loop3A_157 : vector<16xf32>
      %parallel_loop3A_159 = arith.addf %parallel_loop3A_147, %parallel_loop3A_158 : vector<16xf32>
      %parallel_loop3A_160 = arith.constant 3584 : i32
      %parallel_loop3A_161 = arith.addi %parallel_loop3A_160, %parallel_loop3A_30 : i32
      %parallel_loop3A_162 = arith.index_cast %parallel_loop3A_161 : i32 to index
      %parallel_loop3A_163 = tpu.vector_load %arg17[%parallel_loop3A_162] {strides = array<i32>} : memref<16384xf32, #tpu.memory_space<vmem>>, vector<16xf32>,
      %parallel_loop3A_164 = vector.shape_cast %parallel_loop3A_163 : vector<16xf32> to vector<16xf32>
      %parallel_loop3A_165 = arith.constant 3584 : i32
      %parallel_loop3A_166 = arith.addi %parallel_loop3A_165, %parallel_loop3A_30 : i32
      %parallel_loop3A_167 = arith.index_cast %parallel_loop3A_166 : i32 to index
      %parallel_loop3A_168 = tpu.vector_load %arg18[%parallel_loop3A_167] {strides = array<i32>} : memref<16384xf32, #tpu.memory_space<vmem>>, vector<16xf32>,
      %parallel_loop3A_169 = vector.shape_cast %parallel_loop3A_168 : vector<16xf32> to vector<16xf32>
      %parallel_loop3A_170 = arith.mulf %parallel_loop3A_164, %parallel_loop3A_169 : vector<16xf32>
      %parallel_loop3A_171 = arith.addf %parallel_loop3A_159, %parallel_loop3A_170 : vector<16xf32>
      %parallel_loop3A_172 = arith.constant 4096 : i32
      %parallel_loop3A_173 = arith.addi %parallel_loop3A_172, %parallel_loop3A_30 : i32
      %parallel_loop3A_174 = arith.index_cast %parallel_loop3A_173 : i32 to index
      %parallel_loop3A_175 = tpu.vector_load %arg17[%parallel_loop3A_174] {strides = array<i32>} : memref<16384xf32, #tpu.memory_space<vmem>>, vector<16xf32>,
      %parallel_loop3A_176 = vector.shape_cast %parallel_loop3A_175 : vector<16xf32> to vector<16xf32>
      %parallel_loop3A_177 = arith.constant 4096 : i32
      %parallel_loop3A_178 = arith.addi %parallel_loop3A_177, %parallel_loop3A_30 : i32
      %parallel_loop3A_179 = arith.index_cast %parallel_loop3A_178 : i32 to index
      %parallel_loop3A_180 = tpu.vector_load %arg18[%parallel_loop3A_179] {strides = array<i32>} : memref<16384xf32, #tpu.memory_space<vmem>>, vector<16xf32>,
      %parallel_loop3A_181 = vector.shape_cast %parallel_loop3A_180 : vector<16xf32> to vector<16xf32>
      %parallel_loop3A_182 = arith.mulf %parallel_loop3A_176, %parallel_loop3A_181 : vector<16xf32>
      %parallel_loop3A_183 = arith.addf %parallel_loop3A_171, %parallel_loop3A_182 : vector<16xf32>
      %parallel_loop3A_184 = arith.constant 4608 : i32
      %parallel_loop3A_185 = arith.addi %parallel_loop3A_184, %parallel_loop3A_30 : i32
      %parallel_loop3A_186 = arith.index_cast %parallel_loop3A_185 : i32 to index
      %parallel_loop3A_187 = tpu.vector_load %arg17[%parallel_loop3A_186] {strides = array<i32>} : memref<16384xf32, #tpu.memory_space<vmem>>, vector<16xf32>,
      %parallel_loop3A_188 = vector.shape_cast %parallel_loop3A_187 : vector<16xf32> to vector<16xf32>
      %parallel_loop3A_189 = arith.constant 4608 : i32
      %parallel_loop3A_190 = arith.addi %parallel_loop3A_189, %parallel_loop3A_30 : i32
      %parallel_loop3A_191 = arith.index_cast %parallel_loop3A_190 : i32 to index
      %parallel_loop3A_192 = tpu.vector_load %arg18[%parallel_loop3A_191] {strides = array<i32>} : memref<16384xf32, #tpu.memory_space<vmem>>, vector<16xf32>,
      %parallel_loop3A_193 = vector.shape_cast %parallel_loop3A_192 : vector<16xf32> to vector<16xf32>
      %parallel_loop3A_194 = arith.mulf %parallel_loop3A_188, %parallel_loop3A_193 : vector<16xf32>
      %parallel_loop3A_195 = arith.addf %parallel_loop3A_183, %parallel_loop3A_194 : vector<16xf32>
      %parallel_loop3A_196 = arith.constant 5120 : i32
      %parallel_loop3A_197 = arith.addi %parallel_loop3A_196, %parallel_loop3A_30 : i32
      %parallel_loop3A_198 = arith.index_cast %parallel_loop3A_197 : i32 to index
      %parallel_loop3A_199 = tpu.vector_load %arg17[%parallel_loop3A_198] {strides = array<i32>} : memref<16384xf32, #tpu.memory_space<vmem>>, vector<16xf32>,
      %parallel_loop3A_200 = vector.shape_cast %parallel_loop3A_199 : vector<16xf32> to vector<16xf32>
      %parallel_loop3A_201 = arith.constant 5120 : i32
      %parallel_loop3A_202 = arith.addi %parallel_loop3A_201, %parallel_loop3A_30 : i32
      %parallel_loop3A_203 = arith.index_cast %parallel_loop3A_202 : i32 to index
      %parallel_loop3A_204 = tpu.vector_load %arg18[%parallel_loop3A_203] {strides = array<i32>} : memref<16384xf32, #tpu.memory_space<vmem>>, vector<16xf32>,
      %parallel_loop3A_205 = vector.shape_cast %parallel_loop3A_204 : vector<16xf32> to vector<16xf32>
      %parallel_loop3A_206 = arith.mulf %parallel_loop3A_200, %parallel_loop3A_205 : vector<16xf32>
      %parallel_loop3A_207 = arith.addf %parallel_loop3A_195, %parallel_loop3A_206 : vector<16xf32>
      %parallel_loop3A_208 = arith.constant 5632 : i32
      %parallel_loop3A_209 = arith.addi %parallel_loop3A_208, %parallel_loop3A_30 : i32
      %parallel_loop3A_210 = arith.index_cast %parallel_loop3A_209 : i32 to index
      %parallel_loop3A_211 = tpu.vector_load %arg17[%parallel_loop3A_210] {strides = array<i32>} : memref<16384xf32, #tpu.memory_space<vmem>>, vector<16xf32>,
      %parallel_loop3A_212 = vector.shape_cast %parallel_loop3A_211 : vector<16xf32> to vector<16xf32>
      %parallel_loop3A_213 = arith.constant 5632 : i32
      %parallel_loop3A_214 = arith.addi %parallel_loop3A_213, %parallel_loop3A_30 : i32
      %parallel_loop3A_215 = arith.index_cast %parallel_loop3A_214 : i32 to index
      %parallel_loop3A_216 = tpu.vector_load %arg18[%parallel_loop3A_215] {strides = array<i32>} : memref<16384xf32, #tpu.memory_space<vmem>>, vector<16xf32>,
      %parallel_loop3A_217 = vector.shape_cast %parallel_loop3A_216 : vector<16xf32> to vector<16xf32>
      %parallel_loop3A_218 = arith.mulf %parallel_loop3A_212, %parallel_loop3A_217 : vector<16xf32>
      %parallel_loop3A_219 = arith.addf %parallel_loop3A_207, %parallel_loop3A_218 : vector<16xf32>
      %parallel_loop3A_220 = arith.constant 6144 : i32
      %parallel_loop3A_221 = arith.addi %parallel_loop3A_220, %parallel_loop3A_30 : i32
      %parallel_loop3A_222 = arith.index_cast %parallel_loop3A_221 : i32 to index
      %parallel_loop3A_223 = tpu.vector_load %arg17[%parallel_loop3A_222] {strides = array<i32>} : memref<16384xf32, #tpu.memory_space<vmem>>, vector<16xf32>,
      %parallel_loop3A_224 = vector.shape_cast %parallel_loop3A_223 : vector<16xf32> to vector<16xf32>
      %parallel_loop3A_225 = arith.constant 6144 : i32
      %parallel_loop3A_226 = arith.addi %parallel_loop3A_225, %parallel_loop3A_30 : i32
      %parallel_loop3A_227 = arith.index_cast %parallel_loop3A_226 : i32 to index
      %parallel_loop3A_228 = tpu.vector_load %arg18[%parallel_loop3A_227] {strides = array<i32>} : memref<16384xf32, #tpu.memory_space<vmem>>, vector<16xf32>,
      %parallel_loop3A_229 = vector.shape_cast %parallel_loop3A_228 : vector<16xf32> to vector<16xf32>
      %parallel_loop3A_230 = arith.mulf %parallel_loop3A_224, %parallel_loop3A_229 : vector<16xf32>
      %parallel_loop3A_231 = arith.addf %parallel_loop3A_219, %parallel_loop3A_230 : vector<16xf32>
      %parallel_loop3A_232 = arith.constant 6656 : i32
      %parallel_loop3A_233 = arith.addi %parallel_loop3A_232, %parallel_loop3A_30 : i32
      %parallel_loop3A_234 = arith.index_cast %parallel_loop3A_233 : i32 to index
      %parallel_loop3A_235 = tpu.vector_load %arg17[%parallel_loop3A_234] {strides = array<i32>} : memref<16384xf32, #tpu.memory_space<vmem>>, vector<16xf32>,
      %parallel_loop3A_236 = vector.shape_cast %parallel_loop3A_235 : vector<16xf32> to vector<16xf32>
      %parallel_loop3A_237 = arith.constant 6656 : i32
      %parallel_loop3A_238 = arith.addi %parallel_loop3A_237, %parallel_loop3A_30 : i32
      %parallel_loop3A_239 = arith.index_cast %parallel_loop3A_238 : i32 to index
      %parallel_loop3A_240 = tpu.vector_load %arg18[%parallel_loop3A_239] {strides = array<i32>} : memref<16384xf32, #tpu.memory_space<vmem>>, vector<16xf32>,
      %parallel_loop3A_241 = vector.shape_cast %parallel_loop3A_240 : vector<16xf32> to vector<16xf32>
      %parallel_loop3A_242 = arith.mulf %parallel_loop3A_236, %parallel_loop3A_241 : vector<16xf32>
      %parallel_loop3A_243 = arith.addf %parallel_loop3A_231, %parallel_loop3A_242 : vector<16xf32>
      %parallel_loop3A_244 = arith.constant 7168 : i32
      %parallel_loop3A_245 = arith.addi %parallel_loop3A_244, %parallel_loop3A_30 : i32
      %parallel_loop3A_246 = arith.index_cast %parallel_loop3A_245 : i32 to index
      %parallel_loop3A_247 = tpu.vector_load %arg17[%parallel_loop3A_246] {strides = array<i32>} : memref<16384xf32, #tpu.memory_space<vmem>>, vector<16xf32>,
      %parallel_loop3A_248 = vector.shape_cast %parallel_loop3A_247 : vector<16xf32> to vector<16xf32>
      %parallel_loop3A_249 = arith.constant 7168 : i32
      %parallel_loop3A_250 = arith.addi %parallel_loop3A_249, %parallel_loop3A_30 : i32
      %parallel_loop3A_251 = arith.index_cast %parallel_loop3A_250 : i32 to index
      %parallel_loop3A_252 = tpu.vector_load %arg18[%parallel_loop3A_251] {strides = array<i32>} : memref<16384xf32, #tpu.memory_space<vmem>>, vector<16xf32>,
      %parallel_loop3A_253 = vector.shape_cast %parallel_loop3A_252 : vector<16xf32> to vector<16xf32>
      %parallel_loop3A_254 = arith.mulf %parallel_loop3A_248, %parallel_loop3A_253 : vector<16xf32>
      %parallel_loop3A_255 = arith.addf %parallel_loop3A_243, %parallel_loop3A_254 : vector<16xf32>
      %parallel_loop3A_256 = arith.constant 7680 : i32
      %parallel_loop3A_257 = arith.addi %parallel_loop3A_256, %parallel_loop3A_30 : i32
      %parallel_loop3A_258 = arith.index_cast %parallel_loop3A_257 : i32 to index
      %parallel_loop3A_259 = tpu.vector_load %arg17[%parallel_loop3A_258] {strides = array<i32>} : memref<16384xf32, #tpu.memory_space<vmem>>, vector<16xf32>,
      %parallel_loop3A_260 = vector.shape_cast %parallel_loop3A_259 : vector<16xf32> to vector<16xf32>
      %parallel_loop3A_261 = arith.constant 7680 : i32
      %parallel_loop3A_262 = arith.addi %parallel_loop3A_261, %parallel_loop3A_30 : i32
      %parallel_loop3A_263 = arith.index_cast %parallel_loop3A_262 : i32 to index
      %parallel_loop3A_264 = tpu.vector_load %arg18[%parallel_loop3A_263] {strides = array<i32>} : memref<16384xf32, #tpu.memory_space<vmem>>, vector<16xf32>,
      %parallel_loop3A_265 = vector.shape_cast %parallel_loop3A_264 : vector<16xf32> to vector<16xf32>
      %parallel_loop3A_266 = arith.mulf %parallel_loop3A_260, %parallel_loop3A_265 : vector<16xf32>
      %parallel_loop3A_267 = arith.addf %parallel_loop3A_255, %parallel_loop3A_266 : vector<16xf32>
      %parallel_loop3A_268 = arith.constant 8192 : i32
      %parallel_loop3A_269 = arith.addi %parallel_loop3A_268, %parallel_loop3A_30 : i32
      %parallel_loop3A_270 = arith.index_cast %parallel_loop3A_269 : i32 to index
      %parallel_loop3A_271 = tpu.vector_load %arg17[%parallel_loop3A_270] {strides = array<i32>} : memref<16384xf32, #tpu.memory_space<vmem>>, vector<16xf32>,
      %parallel_loop3A_272 = vector.shape_cast %parallel_loop3A_271 : vector<16xf32> to vector<16xf32>
      %parallel_loop3A_273 = arith.constant 8192 : i32
      %parallel_loop3A_274 = arith.addi %parallel_loop3A_273, %parallel_loop3A_30 : i32
      %parallel_loop3A_275 = arith.index_cast %parallel_loop3A_274 : i32 to index
      %parallel_loop3A_276 = tpu.vector_load %arg18[%parallel_loop3A_275] {strides = array<i32>} : memref<16384xf32, #tpu.memory_space<vmem>>, vector<16xf32>,
      %parallel_loop3A_277 = vector.shape_cast %parallel_loop3A_276 : vector<16xf32> to vector<16xf32>
      %parallel_loop3A_278 = arith.mulf %parallel_loop3A_272, %parallel_loop3A_277 : vector<16xf32>
      %parallel_loop3A_279 = arith.addf %parallel_loop3A_267, %parallel_loop3A_278 : vector<16xf32>
      %parallel_loop3A_280 = arith.constant 8704 : i32
      %parallel_loop3A_281 = arith.addi %parallel_loop3A_280, %parallel_loop3A_30 : i32
      %parallel_loop3A_282 = arith.index_cast %parallel_loop3A_281 : i32 to index
      %parallel_loop3A_283 = tpu.vector_load %arg17[%parallel_loop3A_282] {strides = array<i32>} : memref<16384xf32, #tpu.memory_space<vmem>>, vector<16xf32>,
      %parallel_loop3A_284 = vector.shape_cast %parallel_loop3A_283 : vector<16xf32> to vector<16xf32>
      %parallel_loop3A_285 = arith.constant 8704 : i32
      %parallel_loop3A_286 = arith.addi %parallel_loop3A_285, %parallel_loop3A_30 : i32
      %parallel_loop3A_287 = arith.index_cast %parallel_loop3A_286 : i32 to index
      %parallel_loop3A_288 = tpu.vector_load %arg18[%parallel_loop3A_287] {strides = array<i32>} : memref<16384xf32, #tpu.memory_space<vmem>>, vector<16xf32>,
      %parallel_loop3A_289 = vector.shape_cast %parallel_loop3A_288 : vector<16xf32> to vector<16xf32>
      %parallel_loop3A_290 = arith.mulf %parallel_loop3A_284, %parallel_loop3A_289 : vector<16xf32>
      %parallel_loop3A_291 = arith.addf %parallel_loop3A_279, %parallel_loop3A_290 : vector<16xf32>
      %parallel_loop3A_292 = arith.constant 9216 : i32
      %parallel_loop3A_293 = arith.addi %parallel_loop3A_292, %parallel_loop3A_30 : i32
      %parallel_loop3A_294 = arith.index_cast %parallel_loop3A_293 : i32 to index
      %parallel_loop3A_295 = tpu.vector_load %arg17[%parallel_loop3A_294] {strides = array<i32>} : memref<16384xf32, #tpu.memory_space<vmem>>, vector<16xf32>,
      %parallel_loop3A_296 = vector.shape_cast %parallel_loop3A_295 : vector<16xf32> to vector<16xf32>
      %parallel_loop3A_297 = arith.constant 9216 : i32
      %parallel_loop3A_298 = arith.addi %parallel_loop3A_297, %parallel_loop3A_30 : i32
      %parallel_loop3A_299 = arith.index_cast %parallel_loop3A_298 : i32 to index
      %parallel_loop3A_300 = tpu.vector_load %arg18[%parallel_loop3A_299] {strides = array<i32>} : memref<16384xf32, #tpu.memory_space<vmem>>, vector<16xf32>,
      %parallel_loop3A_301 = vector.shape_cast %parallel_loop3A_300 : vector<16xf32> to vector<16xf32>
      %parallel_loop3A_302 = arith.mulf %parallel_loop3A_296, %parallel_loop3A_301 : vector<16xf32>
      %parallel_loop3A_303 = arith.addf %parallel_loop3A_291, %parallel_loop3A_302 : vector<16xf32>
      %parallel_loop3A_304 = arith.constant 9728 : i32
      %parallel_loop3A_305 = arith.addi %parallel_loop3A_304, %parallel_loop3A_30 : i32
      %parallel_loop3A_306 = arith.index_cast %parallel_loop3A_305 : i32 to index
      %parallel_loop3A_307 = tpu.vector_load %arg17[%parallel_loop3A_306] {strides = array<i32>} : memref<16384xf32, #tpu.memory_space<vmem>>, vector<16xf32>,
      %parallel_loop3A_308 = vector.shape_cast %parallel_loop3A_307 : vector<16xf32> to vector<16xf32>
      %parallel_loop3A_309 = arith.constant 9728 : i32
      %parallel_loop3A_310 = arith.addi %parallel_loop3A_309, %parallel_loop3A_30 : i32
      %parallel_loop3A_311 = arith.index_cast %parallel_loop3A_310 : i32 to index
      %parallel_loop3A_312 = tpu.vector_load %arg18[%parallel_loop3A_311] {strides = array<i32>} : memref<16384xf32, #tpu.memory_space<vmem>>, vector<16xf32>,
      %parallel_loop3A_313 = vector.shape_cast %parallel_loop3A_312 : vector<16xf32> to vector<16xf32>
      %parallel_loop3A_314 = arith.mulf %parallel_loop3A_308, %parallel_loop3A_313 : vector<16xf32>
      %parallel_loop3A_315 = arith.addf %parallel_loop3A_303, %parallel_loop3A_314 : vector<16xf32>
      %parallel_loop3A_316 = arith.constant 10240 : i32
      %parallel_loop3A_317 = arith.addi %parallel_loop3A_316, %parallel_loop3A_30 : i32
      %parallel_loop3A_318 = arith.index_cast %parallel_loop3A_317 : i32 to index
      %parallel_loop3A_319 = tpu.vector_load %arg17[%parallel_loop3A_318] {strides = array<i32>} : memref<16384xf32, #tpu.memory_space<vmem>>, vector<16xf32>,
      %parallel_loop3A_320 = vector.shape_cast %parallel_loop3A_319 : vector<16xf32> to vector<16xf32>
      %parallel_loop3A_321 = arith.constant 10240 : i32
      %parallel_loop3A_322 = arith.addi %parallel_loop3A_321, %parallel_loop3A_30 : i32
      %parallel_loop3A_323 = arith.index_cast %parallel_loop3A_322 : i32 to index
      %parallel_loop3A_324 = tpu.vector_load %arg18[%parallel_loop3A_323] {strides = array<i32>} : memref<16384xf32, #tpu.memory_space<vmem>>, vector<16xf32>,
      %parallel_loop3A_325 = vector.shape_cast %parallel_loop3A_324 : vector<16xf32> to vector<16xf32>
      %parallel_loop3A_326 = arith.mulf %parallel_loop3A_320, %parallel_loop3A_325 : vector<16xf32>
      %parallel_loop3A_327 = arith.addf %parallel_loop3A_315, %parallel_loop3A_326 : vector<16xf32>
      %parallel_loop3A_328 = arith.constant 10752 : i32
      %parallel_loop3A_329 = arith.addi %parallel_loop3A_328, %parallel_loop3A_30 : i32
      %parallel_loop3A_330 = arith.index_cast %parallel_loop3A_329 : i32 to index
      %parallel_loop3A_331 = tpu.vector_load %arg17[%parallel_loop3A_330] {strides = array<i32>} : memref<16384xf32, #tpu.memory_space<vmem>>, vector<16xf32>,
      %parallel_loop3A_332 = vector.shape_cast %parallel_loop3A_331 : vector<16xf32> to vector<16xf32>
      %parallel_loop3A_333 = arith.constant 10752 : i32
      %parallel_loop3A_334 = arith.addi %parallel_loop3A_333, %parallel_loop3A_30 : i32
      %parallel_loop3A_335 = arith.index_cast %parallel_loop3A_334 : i32 to index
      %parallel_loop3A_336 = tpu.vector_load %arg18[%parallel_loop3A_335] {strides = array<i32>} : memref<16384xf32, #tpu.memory_space<vmem>>, vector<16xf32>,
      %parallel_loop3A_337 = vector.shape_cast %parallel_loop3A_336 : vector<16xf32> to vector<16xf32>
      %parallel_loop3A_338 = arith.mulf %parallel_loop3A_332, %parallel_loop3A_337 : vector<16xf32>
      %parallel_loop3A_339 = arith.addf %parallel_loop3A_327, %parallel_loop3A_338 : vector<16xf32>
      %parallel_loop3A_340 = arith.constant 11264 : i32
      %parallel_loop3A_341 = arith.addi %parallel_loop3A_340, %parallel_loop3A_30 : i32
      %parallel_loop3A_342 = arith.index_cast %parallel_loop3A_341 : i32 to index
      %parallel_loop3A_343 = tpu.vector_load %arg17[%parallel_loop3A_342] {strides = array<i32>} : memref<16384xf32, #tpu.memory_space<vmem>>, vector<16xf32>,
      %parallel_loop3A_344 = vector.shape_cast %parallel_loop3A_343 : vector<16xf32> to vector<16xf32>
      %parallel_loop3A_345 = arith.constant 11264 : i32
      %parallel_loop3A_346 = arith.addi %parallel_loop3A_345, %parallel_loop3A_30 : i32
      %parallel_loop3A_347 = arith.index_cast %parallel_loop3A_346 : i32 to index
      %parallel_loop3A_348 = tpu.vector_load %arg18[%parallel_loop3A_347] {strides = array<i32>} : memref<16384xf32, #tpu.memory_space<vmem>>, vector<16xf32>,
      %parallel_loop3A_349 = vector.shape_cast %parallel_loop3A_348 : vector<16xf32> to vector<16xf32>
      %parallel_loop3A_350 = arith.mulf %parallel_loop3A_344, %parallel_loop3A_349 : vector<16xf32>
      %parallel_loop3A_351 = arith.addf %parallel_loop3A_339, %parallel_loop3A_350 : vector<16xf32>
      %parallel_loop3A_352 = arith.constant 11776 : i32
      %parallel_loop3A_353 = arith.addi %parallel_loop3A_352, %parallel_loop3A_30 : i32
      %parallel_loop3A_354 = arith.index_cast %parallel_loop3A_353 : i32 to index
      %parallel_loop3A_355 = tpu.vector_load %arg17[%parallel_loop3A_354] {strides = array<i32>} : memref<16384xf32, #tpu.memory_space<vmem>>, vector<16xf32>,
      %parallel_loop3A_356 = vector.shape_cast %parallel_loop3A_355 : vector<16xf32> to vector<16xf32>
      %parallel_loop3A_357 = arith.constant 11776 : i32
      %parallel_loop3A_358 = arith.addi %parallel_loop3A_357, %parallel_loop3A_30 : i32
      %parallel_loop3A_359 = arith.index_cast %parallel_loop3A_358 : i32 to index
      %parallel_loop3A_360 = tpu.vector_load %arg18[%parallel_loop3A_359] {strides = array<i32>} : memref<16384xf32, #tpu.memory_space<vmem>>, vector<16xf32>,
      %parallel_loop3A_361 = vector.shape_cast %parallel_loop3A_360 : vector<16xf32> to vector<16xf32>
      %parallel_loop3A_362 = arith.mulf %parallel_loop3A_356, %parallel_loop3A_361 : vector<16xf32>
      %parallel_loop3A_363 = arith.addf %parallel_loop3A_351, %parallel_loop3A_362 : vector<16xf32>
      %parallel_loop3A_364 = arith.constant 12288 : i32
      %parallel_loop3A_365 = arith.addi %parallel_loop3A_364, %parallel_loop3A_30 : i32
      %parallel_loop3A_366 = arith.index_cast %parallel_loop3A_365 : i32 to index
      %parallel_loop3A_367 = tpu.vector_load %arg17[%parallel_loop3A_366] {strides = array<i32>} : memref<16384xf32, #tpu.memory_space<vmem>>, vector<16xf32>,
      %parallel_loop3A_368 = vector.shape_cast %parallel_loop3A_367 : vector<16xf32> to vector<16xf32>
      %parallel_loop3A_369 = arith.constant 12288 : i32
      %parallel_loop3A_370 = arith.addi %parallel_loop3A_369, %parallel_loop3A_30 : i32
      %parallel_loop3A_371 = arith.index_cast %parallel_loop3A_370 : i32 to index
      %parallel_loop3A_372 = tpu.vector_load %arg18[%parallel_loop3A_371] {strides = array<i32>} : memref<16384xf32, #tpu.memory_space<vmem>>, vector<16xf32>,
      %parallel_loop3A_373 = vector.shape_cast %parallel_loop3A_372 : vector<16xf32> to vector<16xf32>
      %parallel_loop3A_374 = arith.mulf %parallel_loop3A_368, %parallel_loop3A_373 : vector<16xf32>
      %parallel_loop3A_375 = arith.addf %parallel_loop3A_363, %parallel_loop3A_374 : vector<16xf32>
      %parallel_loop3A_376 = arith.constant 12800 : i32
      %parallel_loop3A_377 = arith.addi %parallel_loop3A_376, %parallel_loop3A_30 : i32
      %parallel_loop3A_378 = arith.index_cast %parallel_loop3A_377 : i32 to index
      %parallel_loop3A_379 = tpu.vector_load %arg17[%parallel_loop3A_378] {strides = array<i32>} : memref<16384xf32, #tpu.memory_space<vmem>>, vector<16xf32>,
      %parallel_loop3A_380 = vector.shape_cast %parallel_loop3A_379 : vector<16xf32> to vector<16xf32>
      %parallel_loop3A_381 = arith.constant 12800 : i32
      %parallel_loop3A_382 = arith.addi %parallel_loop3A_381, %parallel_loop3A_30 : i32
      %parallel_loop3A_383 = arith.index_cast %parallel_loop3A_382 : i32 to index
      %parallel_loop3A_384 = tpu.vector_load %arg18[%parallel_loop3A_383] {strides = array<i32>} : memref<16384xf32, #tpu.memory_space<vmem>>, vector<16xf32>,
      %parallel_loop3A_385 = vector.shape_cast %parallel_loop3A_384 : vector<16xf32> to vector<16xf32>
      %parallel_loop3A_386 = arith.mulf %parallel_loop3A_380, %parallel_loop3A_385 : vector<16xf32>
      %parallel_loop3A_387 = arith.addf %parallel_loop3A_375, %parallel_loop3A_386 : vector<16xf32>
      %parallel_loop3A_388 = arith.constant 13312 : i32
      %parallel_loop3A_389 = arith.addi %parallel_loop3A_388, %parallel_loop3A_30 : i32
      %parallel_loop3A_390 = arith.index_cast %parallel_loop3A_389 : i32 to index
      %parallel_loop3A_391 = tpu.vector_load %arg17[%parallel_loop3A_390] {strides = array<i32>} : memref<16384xf32, #tpu.memory_space<vmem>>, vector<16xf32>,
      %parallel_loop3A_392 = vector.shape_cast %parallel_loop3A_391 : vector<16xf32> to vector<16xf32>
      %parallel_loop3A_393 = arith.constant 13312 : i32
      %parallel_loop3A_394 = arith.addi %parallel_loop3A_393, %parallel_loop3A_30 : i32
      %parallel_loop3A_395 = arith.index_cast %parallel_loop3A_394 : i32 to index
      %parallel_loop3A_396 = tpu.vector_load %arg18[%parallel_loop3A_395] {strides = array<i32>} : memref<16384xf32, #tpu.memory_space<vmem>>, vector<16xf32>,
      %parallel_loop3A_397 = vector.shape_cast %parallel_loop3A_396 : vector<16xf32> to vector<16xf32>
      %parallel_loop3A_398 = arith.mulf %parallel_loop3A_392, %parallel_loop3A_397 : vector<16xf32>
      %parallel_loop3A_399 = arith.addf %parallel_loop3A_387, %parallel_loop3A_398 : vector<16xf32>
      %parallel_loop3A_400 = arith.constant 13824 : i32
      %parallel_loop3A_401 = arith.addi %parallel_loop3A_400, %parallel_loop3A_30 : i32
      %parallel_loop3A_402 = arith.index_cast %parallel_loop3A_401 : i32 to index
      %parallel_loop3A_403 = tpu.vector_load %arg17[%parallel_loop3A_402] {strides = array<i32>} : memref<16384xf32, #tpu.memory_space<vmem>>, vector<16xf32>,
      %parallel_loop3A_404 = vector.shape_cast %parallel_loop3A_403 : vector<16xf32> to vector<16xf32>
      %parallel_loop3A_405 = arith.constant 13824 : i32
      %parallel_loop3A_406 = arith.addi %parallel_loop3A_405, %parallel_loop3A_30 : i32
      %parallel_loop3A_407 = arith.index_cast %parallel_loop3A_406 : i32 to index
      %parallel_loop3A_408 = tpu.vector_load %arg18[%parallel_loop3A_407] {strides = array<i32>} : memref<16384xf32, #tpu.memory_space<vmem>>, vector<16xf32>,
      %parallel_loop3A_409 = vector.shape_cast %parallel_loop3A_408 : vector<16xf32> to vector<16xf32>
      %parallel_loop3A_410 = arith.mulf %parallel_loop3A_404, %parallel_loop3A_409 : vector<16xf32>
      %parallel_loop3A_411 = arith.addf %parallel_loop3A_399, %parallel_loop3A_410 : vector<16xf32>
      %parallel_loop3A_412 = arith.constant 14336 : i32
      %parallel_loop3A_413 = arith.addi %parallel_loop3A_412, %parallel_loop3A_30 : i32
      %parallel_loop3A_414 = arith.index_cast %parallel_loop3A_413 : i32 to index
      %parallel_loop3A_415 = tpu.vector_load %arg17[%parallel_loop3A_414] {strides = array<i32>} : memref<16384xf32, #tpu.memory_space<vmem>>, vector<16xf32>,
      %parallel_loop3A_416 = vector.shape_cast %parallel_loop3A_415 : vector<16xf32> to vector<16xf32>
      %parallel_loop3A_417 = arith.constant 14336 : i32
      %parallel_loop3A_418 = arith.addi %parallel_loop3A_417, %parallel_loop3A_30 : i32
      %parallel_loop3A_419 = arith.index_cast %parallel_loop3A_418 : i32 to index
      %parallel_loop3A_420 = tpu.vector_load %arg18[%parallel_loop3A_419] {strides = array<i32>} : memref<16384xf32, #tpu.memory_space<vmem>>, vector<16xf32>,
      %parallel_loop3A_421 = vector.shape_cast %parallel_loop3A_420 : vector<16xf32> to vector<16xf32>
      %parallel_loop3A_422 = arith.mulf %parallel_loop3A_416, %parallel_loop3A_421 : vector<16xf32>
      %parallel_loop3A_423 = arith.addf %parallel_loop3A_411, %parallel_loop3A_422 : vector<16xf32>
      %parallel_loop3A_424 = arith.constant 14848 : i32
      %parallel_loop3A_425 = arith.addi %parallel_loop3A_424, %parallel_loop3A_30 : i32
      %parallel_loop3A_426 = arith.index_cast %parallel_loop3A_425 : i32 to index
      %parallel_loop3A_427 = tpu.vector_load %arg17[%parallel_loop3A_426] {strides = array<i32>} : memref<16384xf32, #tpu.memory_space<vmem>>, vector<16xf32>,
      %parallel_loop3A_428 = vector.shape_cast %parallel_loop3A_427 : vector<16xf32> to vector<16xf32>
      %parallel_loop3A_429 = arith.constant 14848 : i32
      %parallel_loop3A_430 = arith.addi %parallel_loop3A_429, %parallel_loop3A_30 : i32
      %parallel_loop3A_431 = arith.index_cast %parallel_loop3A_430 : i32 to index
      %parallel_loop3A_432 = tpu.vector_load %arg18[%parallel_loop3A_431] {strides = array<i32>} : memref<16384xf32, #tpu.memory_space<vmem>>, vector<16xf32>,
      %parallel_loop3A_433 = vector.shape_cast %parallel_loop3A_432 : vector<16xf32> to vector<16xf32>
      %parallel_loop3A_434 = arith.mulf %parallel_loop3A_428, %parallel_loop3A_433 : vector<16xf32>
      %parallel_loop3A_435 = arith.addf %parallel_loop3A_423, %parallel_loop3A_434 : vector<16xf32>
      %parallel_loop3A_436 = arith.constant 15360 : i32
      %parallel_loop3A_437 = arith.addi %parallel_loop3A_436, %parallel_loop3A_30 : i32
      %parallel_loop3A_438 = arith.index_cast %parallel_loop3A_437 : i32 to index
      %parallel_loop3A_439 = tpu.vector_load %arg17[%parallel_loop3A_438] {strides = array<i32>} : memref<16384xf32, #tpu.memory_space<vmem>>, vector<16xf32>,
      %parallel_loop3A_440 = vector.shape_cast %parallel_loop3A_439 : vector<16xf32> to vector<16xf32>
      %parallel_loop3A_441 = arith.constant 15360 : i32
      %parallel_loop3A_442 = arith.addi %parallel_loop3A_441, %parallel_loop3A_30 : i32
      %parallel_loop3A_443 = arith.index_cast %parallel_loop3A_442 : i32 to index
      %parallel_loop3A_444 = tpu.vector_load %arg18[%parallel_loop3A_443] {strides = array<i32>} : memref<16384xf32, #tpu.memory_space<vmem>>, vector<16xf32>,
      %parallel_loop3A_445 = vector.shape_cast %parallel_loop3A_444 : vector<16xf32> to vector<16xf32>
      %parallel_loop3A_446 = arith.mulf %parallel_loop3A_440, %parallel_loop3A_445 : vector<16xf32>
      %parallel_loop3A_447 = arith.addf %parallel_loop3A_435, %parallel_loop3A_446 : vector<16xf32>
      %parallel_loop3A_448 = arith.constant 15872 : i32
      %parallel_loop3A_449 = arith.addi %parallel_loop3A_448, %parallel_loop3A_30 : i32
      %parallel_loop3A_450 = arith.index_cast %parallel_loop3A_449 : i32 to index
      %parallel_loop3A_451 = tpu.vector_load %arg17[%parallel_loop3A_450] {strides = array<i32>} : memref<16384xf32, #tpu.memory_space<vmem>>, vector<16xf32>,
      %parallel_loop3A_452 = vector.shape_cast %parallel_loop3A_451 : vector<16xf32> to vector<16xf32>
      %parallel_loop3A_453 = arith.constant 15872 : i32
      %parallel_loop3A_454 = arith.addi %parallel_loop3A_453, %parallel_loop3A_30 : i32
      %parallel_loop3A_455 = arith.index_cast %parallel_loop3A_454 : i32 to index
      %parallel_loop3A_456 = tpu.vector_load %arg18[%parallel_loop3A_455] {strides = array<i32>} : memref<16384xf32, #tpu.memory_space<vmem>>, vector<16xf32>,
      %parallel_loop3A_457 = vector.shape_cast %parallel_loop3A_456 : vector<16xf32> to vector<16xf32>
      %parallel_loop3A_458 = arith.mulf %parallel_loop3A_452, %parallel_loop3A_457 : vector<16xf32>
      %parallel_loop3A_459 = arith.addf %parallel_loop3A_447, %parallel_loop3A_458 : vector<16xf32>
      %parallel_loop3A_460 = arith.index_cast %parallel_loop3A_30 : i32 to index
      %parallel_loop3A_461 = tpu.vector_load %arg23[%parallel_loop3A_460] {strides = array<i32>} : memref<512xf32, #tpu.memory_space<vmem>>, vector<16xf32>,
      %parallel_loop3A_462 = vector.shape_cast %parallel_loop3A_461 : vector<16xf32> to vector<16xf32>
      %parallel_loop3A_463 = vector.shape_cast %parallel_loop3A_459 : vector<16xf32> to vector<16xf32>
      tpu.vector_store %arg23[%parallel_loop3A_460], %parallel_loop3A_463 {strides = array<i32>} : memref<512xf32, #tpu.memory_space<vmem>>, vector<16xf32>,
    } {sc.loop_unroll_factor = 2 : i64, sc.parallel_access}
    "tpu.region"() ({
      %run_scoped3A = tpu.sem_alloc : memref<!tpu.dma_semaphore, #tpu.memory_space<semaphore_mem>>
      %dma_start3A_30 = tpu.memref_slice %arg11[%mul3A_2] : memref<16384xf32, #tpu.memory_space<hbm>> -> memref<512xf32, #tpu.memory_space<hbm>>
      %dma_start3A_31 = tpu.memref_slice %arg11[%mul3A_2] : memref<16384xf32, #tpu.memory_space<hbm>> -> memref<512xf32, #tpu.memory_space<hbm>>
      tpu.enqueue_dma source(%arg23 : memref<512xf32, #tpu.memory_space<vmem>>) target(%dma_start3A_31 : memref<512xf32, #tpu.memory_space<hbm>>) target_semaphore(%run_scoped3A : memref<!tpu.dma_semaphore, #tpu.memory_space<semaphore_mem>>)
      %dma_wait3A_32 = tpu.memref_slice %arg11[%mul3A_2] : memref<16384xf32, #tpu.memory_space<hbm>> -> memref<512xf32, #tpu.memory_space<hbm>>
      %dma_wait3A_33 = tpu.memref_slice %arg11[%mul3A_2] : memref<16384xf32, #tpu.memory_space<hbm>> -> memref<512xf32, #tpu.memory_space<hbm>>
      tpu.wait_dma2 semaphore(%run_scoped3A : memref<!tpu.dma_semaphore, #tpu.memory_space<semaphore_mem>>) src(%arg23 : memref<512xf32, #tpu.memory_space<vmem>>) dst(%dma_wait3A_33 : memref<512xf32, #tpu.memory_space<hbm>>)
      tpu.yield
    }) : () -> ()
    return
  }
}

</mosaic_0001>

<sc_bundles>
// kernel: kernel.3.cloned.1.call-start
scs
__scs_entry_jumppad:
0x0: {  	(pc) =	sbr.rel $0x88, $3  }
0x1: {  	(tag) =	ssettag $0x0;
	lr =	simm.s32 $0x1  }
0x2: {  	[smem:$0x3F98] =	sst lr;
	_ =	strace $0xD0000000  }
0x3: {  	_ = 	snop  }
0x4: {  	_ = 	snop  }
0x5: {  	_ = 	snop  }
0x6: {  	_ = 	snop  }
0x7: {  	_ = 	snop  }
__scs_overlays_trampoline_lowered:
0x8: {  	[smem:$0x3FA7] =	sst s0  }
0x9: {  	[smem:$0x3FA8] =	sst s1  }
0xa: {  	[smem:$0x3FA9] =	sst s2  }
0xb: {  	[smem:$0x3FAA] =	sst s3  }
0xc: {  	[smem:$0x3FAB] =	sst s4  }
0xd: {  	[smem:$0x3FAC] =	sst s5  }
0xe: {  	[smem:$0x3FAD] =	sst s6  }
0xf: {  	[smem:$0x3FAE] =	sst s7  }
0x10: {  	[smem:$0x3FAF] =	sst s8  }
0x11: {  	[smem:$0x3FB0] =	sst s9;
	s0 =	simm.s32 @!p0 $0x0  }
0x12: {  	s1 =	sld [smem:$0x3F96];
	s0 =	simm.s32 @p0 $0x1  }
0x13: {  	[smem:$0x3FB1] =	sst s0;
	s0 =	simm.s32 @!p1 $0x0  }
0x14: {  	s2 =	sld [smem:$0x3F95];
	s0 =	simm.s32 @p1 $0x1  }
0x15: {  	[smem:$0x3FB2] =	sst s0;
	s0 =	simm.s32 @!p2 $0x0  }
0x16: {  	s3 =	sld [smem:$0x3FDB];
	s0 =	simm.s32 @p2 $0x1  }
0x17: {  	s4 =	simm.s32 $0x1BF5;
	[smem:$0x3FB4] =	sst s0  }
0x18: {  	s0 =	sld [smem:$0x3F97];
	_ =	swait.ge [sflag:s4], $0x0  }
0x19: {  	s7 =	sld [smem:$0x3F98]  }
0x1a: {  	s8 =	sadd.s32 $0xFFFFE003, lr  }
0x1b: {  	s9 =	sadd.s32 $0xFFFFFEF7, lr;
	s5 =	simm.s32 $0xFFFFFFFF;
	p2 =	slt.u32 s8, $0xFFFFF086  }
0x1c: {  	p1 =	slt.u32 s9, $0xF7A;
	s5 =	simm.s32 @!p2 $0x0  }
0x1d: {  	s5 =	simm.s32 @p1 $0x1;
	p0 =	seq.s32 s7, s2  }
0x1e: {  	s7 =	smul.u32 @!p0 $0xF7A, s2;
	p2 =	seq.s32 @!p0 s5, $0x0  }
0x1f: {  	s9 =	smul.u32 $0xF7A, s1;
	s8 =	simm.s32 @!p0 $0x1BF5;
	p2 =	por !p2, p0  }
0x20: {  	[sflag:s8] =	ssyncset.s32 @!p0 $0xFFFFF086;
	s6 =	sadd.s32 @!p0 s3, s7;
	s7 =	simm.s32 @!p0 $0x108  }
0x21: {  	s3 =	sadd.s32 s3, s9;
	s6 =	sadd.s32 @!p0 $0x88, s6;
	s7 =	simm.s32 @p2 $0x1082  }
0x22: {  	[simem:s7], [sflag:s8] =	dma.local @!p0 [hbm:s6], $0xF7A  }
0x23: {  	s9 =	sor.u32 $0xD0000000, s2;
	s6 =	simm.s32 $0x108;
	_ =	swait.ge @!p0 [sflag:s8], $0x0  }
0x24: {  	s3 =	sadd.s32 $0x88, s3;
	s6 =	simm.s32 @!p1 $0x1082;
	[sflag:s4] =	ssyncset.s32 $0xFFFFF086  }
0x25: {  	[simem:s6], [sflag:s4] =	dma.local [hbm:s3], $0xF7A  }
0x26: {  	[smem:$0x3F98] =	sst s1;
	(tag) =	ssettag s2;
	_ =	strace s9  }
0x27: {  	s1 =	sld [smem:$0x3FA8]  }
0x28: {  	s2 =	sld [smem:$0x3FA9]  }
0x29: {  	s4 =	sld [smem:$0x3FAB]  }
0x2a: {  	p0 =	seq.s32 s5, $0x0;
	s5 =	sld [smem:$0x3FAC]  }
0x2b: {  	s6 =	sld [smem:$0x3FAD]  }
0x2c: {  	s7 =	sld [smem:$0x3FAE]  }
0x2d: {  	s3 =	simm.s32 $0x108;
	s8 =	sld [smem:$0x3FAF]  }
0x2e: {  	s3 =	simm.s32 @!p0 $0x1082;
	s9 =	sld [smem:$0x3FB0]  }
0x2f: {  	lr =	sadd.s32 s0, s3;
	s0 =	sld [smem:$0x3FA7]  }
0x30: {  	s3 =	sld [smem:$0x3FAA]  }
0x31: {  	[smem:$0x3FB3] =	sst s10  }
0x32: {  	s10 =	sld [smem:$0x3FB1];
	_ =	sdelay $0x3  }
0x33: {  	p0 =	seq.s32 s10, $0x1;
	s10 =	sld [smem:$0x3FB3];
	_ =	sdelay $0x3  }
0x34: {  	[smem:$0x3FB3] =	sst s10  }
0x35: {  	s10 =	sld [smem:$0x3FB2];
	_ =	sdelay $0x3  }
0x36: {  	p1 =	seq.s32 s10, $0x1;
	s10 =	sld [smem:$0x3FB3];
	_ =	sdelay $0x3  }
0x37: {  	[smem:$0x3FB3] =	sst s10  }
0x38: {  	s10 =	sld [smem:$0x3FB4]  }
0x39: {  	_ = 	snop;
	(pc) =	sbr.ind lr, $3  }
0x3a: {  	_ = 	snop  }
0x3b: {  	_ = 	snop  }
0x3c: {  	p2 =	seq.s32 s10, $0x1;
	s10 =	sld [smem:$0x3FB3]  }
0x3d: {  	_ =	shalt  }
0x3e: {  	_ =	shalt  }
0x3f: {  	_ =	shalt  }
0x40: {  	_ =	shalt  }
0x41: {  	_ =	shalt  }
0x42: {  	_ =	shalt  }
0x43: {  	_ =	shalt  }
0x44: {  	_ =	shalt  }
0x45: {  	_ =	shalt  }
0x46: {  	_ =	shalt  }
0x47: {  	_ =	shalt  }
0x48: {  	_ =	shalt  }
0x49: {  	_ =	shalt  }
0x4a: {  	_ =	shalt  }
0x4b: {  	_ =	shalt  }
0x4c: {  	_ =	shalt  }
0x4d: {  	_ =	shalt  }
0x4e: {  	_ =	shalt  }
0x4f: {  	_ =	shalt  }
0x50: {  	_ =	shalt  }
0x51: {  	_ =	shalt  }
0x52: {  	_ =	shalt  }
0x53: {  	_ =	shalt  }
0x54: {  	_ =	shalt  }
0x55: {  	_ =	shalt  }
0x56: {  	_ =	shalt  }
0x57: {  	_ =	shalt  }
0x58: {  	_ =	shalt  }
0x59: {  	_ =	shalt  }
0x5a: {  	_ =	shalt  }
0x5b: {  	_ =	shalt  }
0x5c: {  	_ =	shalt  }
0x5d: {  	_ =	shalt  }
0x5e: {  	_ =	shalt  }
0x5f: {  	_ =	shalt  }
0x60: {  	_ =	shalt  }
0x61: {  	_ =	shalt  }
0x62: {  	_ =	shalt  }
0x63: {  	_ =	shalt  }
0x64: {  	_ =	shalt  }
0x65: {  	_ =	shalt  }
0x66: {  	_ =	shalt  }
0x67: {  	_ =	shalt  }
0x68: {  	_ =	shalt  }
0x69: {  	_ =	shalt  }
0x6a: {  	_ =	shalt  }
0x6b: {  	_ =	shalt  }
0x6c: {  	_ =	shalt  }
0x6d: {  	_ =	shalt  }
0x6e: {  	_ =	shalt  }
0x6f: {  	_ =	shalt  }
0x70: {  	_ =	shalt  }
0x71: {  	_ =	shalt  }
0x72: {  	_ =	shalt  }
0x73: {  	_ =	shalt  }
0x74: {  	_ =	shalt  }
0x75: {  	_ =	shalt  }
0x76: {  	_ =	shalt  }
0x77: {  	_ =	shalt  }
0x78: {  	_ =	shalt  }
0x79: {  	_ =	shalt  }
0x7a: {  	_ =	shalt  }
0x7b: {  	_ =	shalt  }
0x7c: {  	_ =	shalt  }
0x7d: {  	_ =	shalt  }
0x7e: {  	_ =	shalt  }
0x7f: {  	_ =	shalt  }
0x80: {  	_ =	shalt  }
0x81: {  	_ =	shalt  }
0x82: {  	_ =	shalt  }
0x83: {  	_ =	shalt  }
0x84: {  	_ =	shalt  }
0x85: {  	_ =	shalt  }
0x86: {  	_ =	shalt  }
0x87: {  	_ =	shalt  }
.Lfunc_end0:
.L_simem_size_0:
called_computation_lowered:
.L_overlay_start_0:
0x88: {  	s2 =	sld [smem:$0x3FD9]  }
0x89: {  	s3 =	sld [smem:$0x3FFE];
	_ =	sdelay $0x1  }
0x8a: {  	s1 =	srdreg.scid  }
0x8b: {  	s0 =	sand.u32 $0x1, s1  }
0x8c: {  	s17 =	sshll.u32 s0, $0xA;
	s2 =	sadd.s32 s3, s2  }
0x8d: {  	s2 =	sadd.s32 s2, s17  }
0x8e: {  	[smem:$0x3FBF] =	sst s2  }
0x8f: {  	_ = 	snop  }
0x90: {  	s2 =	sld [smem:$0x3FC9]  }
0x91: {  	s18 =	sld [smem:$0x3FC8]  }
0x92: {  	s4 =	sld [smem:$0x3FC7]  }
0x93: {  	s5 =	sld [smem:$0x3FC6]  }
0x94: {  	s6 =	sld [smem:$0x3FC4]  }
0x95: {  	s7 =	sld [smem:$0x3FD0];
	(tm) =	ssettm $0x1  }
0x96: {  	s8 =	sld [smem:$0x3FFB];
	_ =	sdelay $0x3  }
0x97: {  	_ =	strace s8  }
0x98: {  	s8 =	sld [smem:$0x3FFC];
	_ =	sdelay $0x3  }
0x99: {  	_ =	strace s8  }
0x9a: {  	s8 =	sld [smem:$0x3FFD];
	_ =	sdelay $0x3  }
0x9b: {  	_ =	strace s8  }
0x9c: {  	_ =	strace $0x8FFFFFFF  }
0x9d: {  	s19 =	sld [smem:$0x3FDB];
	_ =	sdelay $0x1  }
0x9e: {  	s9 =	simm.s32 $_scs_section_size  }
0x9f: {  	s10 =	simm.s32 $_size__tile_overlayer_lowered;
	s11 =	simm.s32 $_tile_overlayer_lowered  }
0xa0: {  	s22 =	simm.s32 $0x1BFF;
	s21 =	sshll.u32 s11, $0x1;
	s8 =	sadd.s32 s9, s19  }
0xa1: {  	s12 =	simm.s32 $0x0;
	s20 =	sshll.u32 s10, $0x1;
	s10 =	sadd.s32 s21, s8  }
0xa2: {  	[timem:s12], [sflag:s22] =	dma.local [hbm:s10], s20  }
0xa3: {  	_ =	swait.ge [sflag:s22], s20  }
0xa4: {  	s9 =	ssub.s32 $0x0, s20;
	[sflag:s22] =	ssyncset.done $0x0  }
0xa5: {  	[sflag:s22] =	ssyncadd.s32 s9;
	_ =	sdelay $0x1  }
0xa6: {  	s23 =	simm.s32 $0x1B8B  }
0xa7: {  	_ =	swait.ge [sflag:s23], $0x1  }
0xa8: {  	[sflag:s23] =	ssyncset.done $0x0  }
0xa9: {  	s25 =	simm.s32 $0x1B8E;
	s24 =	sld [smem:$0x3FFE];
	[sflag:s23] =	ssyncadd.s32 $0xFFFFFFFF  }
0xaa: {  	s26 =	simm.s32 $execute0_lowered;
	[smem:$0x3FD2] =	sst s25  }
0xab: {  	s10 =	sshll.u32 s26, $0x1;
	_ =	strace $0x80000046;
	[dreg:$0x1] =	wrdreg $0xFFFFFFFF  }
0xac: {  	s28 =	simm.s32 $_size_execute0_lowered;
	s8 =	sadd.s32 s8, s10;
	[dreg:$0x0] =	wrdreg $0x0  }
0xad: {  	s10 =	sshll.u32 s28, $0x1;
	[dreg:$0x2] =	wrdreg s8  }
0xae: {  	[dreg:$0x3] =	wrdreg s10  }
0xaf: {  	[dreg:$0x4] =	wrdreg $0xC0  }
0xb0: {  	_ =	task [dreg:s12], $0x5FFFF  }
0xb1: {  	[dreg:$0x1] =	wrdreg $0xFFFFFFFF  }
0xb2: {  	[dreg:$0x0] =	wrdreg $0x60  }
0xb3: {  	[dreg:$0x2] =	wrdreg s2  }
0xb4: {  	[dreg:$0x3] =	wrdreg s18  }
0xb5: {  	[dreg:$0x4] =	wrdreg s4  }
0xb6: {  	[dreg:$0x5] =	wrdreg s5  }
0xb7: {  	[dreg:$0x6] =	wrdreg s24  }
0xb8: {  	[dreg:$0x7] =	wrdreg s6  }
0xb9: {  	[dreg:$0x8] =	wrdreg s7  }
0xba: {  	[dreg:$0x9] =	wrdreg $0x9  }
0xbb: {  	_ =	task.clear_ibuf [dreg:s12], $0xAFFFF;
	_ =	strace $0x90000046  }
0xbc: {  	s29 =	simm.s32 $0x9;
	_ =	strace $0x80000048  }
0xbd: {  	_ =	swait.ge [sflag:s29], $0x1  }
0xbe: {  	[sflag:s29] =	ssyncadd.s32 $0xFFFFFFFF  }
0xbf: {  	_ =	strace $0x90000048  }
0xc0: {  	_ =	sfence  }
0xc1: {  	s30 =	sld [smem:$0x0];
	_ =	sdelay $0x2  }
0xc2: {  	s31 =	sshll.u32 s1, $0xD;
	s1 =	sshrl.u32 s1, $0x2  }
0xc3: {  	s3 =	sand.u32 $0x4000, s31;
	s1 =	sadd.s32 s1, s30  }
0xc4: {  	s0 =	sor.u32 s3, s0;
	s1 =	sshll.u32 s1, $0x11  }
0xc5: {  	s0 =	sor.u32 s1, s0  }
0xc6: {  	s0 =	sadd.s32 $0x8F2B, s0  }
0xc7: {  	[sflag:s0] =	ssyncadd.remote.s32 $0x1  }
0xc8: {  	_ =	sfence.sel $0xFFFF  }
0xc9: {  	[dreg:$0x0] =	wrdreg $0xFFFFFFFF;
	(pc) =	sbr.abs _section_cstart, $3  }
0xca: {  	[dreg:$0x1] =	wrdreg $0xFFFFFFFF  }
0xcb: {  	_ =	task.clear_ibuf [dreg:s12], $0x2FFFF;
	_ =	strace $0x9FFFFFFF  }
0xcc: {  	(tm) =	ssettm $0x7FFFFFFF  }
0xcd: {  	_ =	shalt  }
tec
execute0_lowered:
.L_overlay_start_1:
0x0: {  	(tag) =	ssettag $0x1  }
0x1: {  	s0 =	rddreg [dreg:$0x0]  }
0x2: {  	s1 =	rddreg [dreg:$0x1]  }
0x3: {  	s3 =	rddreg [dreg:$0x2]  }
0x4: {  	s2 =	rddreg [dreg:$0x4]  }
0x5: {  	s5 =	rddreg [dreg:$0x6];
	s4 =	simm.s32 $0x0  }
0x6: {  	s8 =	srdreg.scid;
	s10 =	stileid.u32;
	s15 =	simm.s32 $0x200  }
0x7: {  	s17 =	simm.s32 $0x10A20;
	s18 =	simm.s32 $0x10A00;
	s19 =	simm.s32 $0x10600  }
0x8: {  	s20 =	simm.s32 $0x10800;
	s21 =	simm.s32 $0x4000;
	s22 =	simm.s32 $0x4600  }
0x9: {  	s23 =	simm.s32 $0xC600;
	s24 =	simm.s32 $0x600;
	s25 =	simm.s32 $0x8600  }
0xa: {  	s26 =	simm.s32 $0x1;
	s28 =	simm.s32 $0x10A30;
	s29 =	simm.s32 $0x0  }
0xb: {  	[smem:$0x7FF] =	sst s4;
	s6 =	sadd.s32 $0x6400, s2;
	s8 =	sand.u32 $0x1, s8  }
0xc: {  	s7 =	sadd.s32 $0x68000, s2;
	s10 =	sshll.u32 s10, $0x7;
	s9 =	ssub.s32 $0x2, s8  }
0xd: {  	_ =	strace $0x80000047;
	s11 =	sshll.u32 s8, $0x6;
	s12 =	sshrl.u32 s9, $0x1  }
0xe: {  	s8 =	sadd.s32 $0x3200, s2;
	s13 =	sor.u32 s11, s10;
	s14 =	ssub.s32 s9, s12  }
0xf: {  	s9 =	sadd.s32 s0, s13;
	s10 =	sadd.s32 s1, s13;
	s11 =	sadd.s32 s3, s13  }
0x10: {  	s12 =	sadd.s32 s5, s13;
	s13 =	smax.u32 s14, $0x1;
	s14 =	simm.s32 $0x2  }
.LBB2_1:
0x11: {  	[tilespmem:s4], [sflag:$0x2] =	stream.linear.gather [hbm4b:s9+s4], $0x200, $0x38;
	[tilespmem:$0x10C30] =	vst v63  }
0x12: {  	_ =	swait.ge [sflag:s14], $0x200  }
0x13: {  	[sflag:s14] =	ssyncset.done $0x0  }
0x14: {  	[sflag:s14] =	ssyncadd.s32 $0xFFFFFE00  }
0x15: {  	[tilespmem:s15], [sflag:$0x2] =	stream.linear.gather [hbm4b:s10+s4], $0x200, $0x38;
	[tilespmem:$0x10C30] =	vst v63  }
0x16: {  	_ =	swait.ge [sflag:s14], $0x200  }
0x17: {  	[sflag:s14] =	ssyncset.done $0x0  }
0x18: {  	s0 =	simm.s32 $0x400;
	[sflag:s14] =	ssyncadd.s32 $0xFFFFFE00  }
0x19: {  	[tilespmem:s0], [sflag:$0x2] =	stream.linear.gather [hbm4b:s11+s4], $0x200, $0x38;
	[tilespmem:$0x10C30] =	vst v63  }
0x1a: {  	_ =	swait.ge [sflag:s14], $0x200  }
0x1b: {  	[sflag:s14] =	ssyncset.done $0x0  }
0x1c: {  	[sflag:s14] =	ssyncadd.s32 $0xFFFFFE00  }
0x1d: {  	[tilespmem:s17], [sflag:$0x2] =	stream.linear.gather [hbm4b:s7+s4], $0x10, $0x38;
	[tilespmem:$0x10C30] =	vst v63  }
0x1e: {  	_ =	swait.ge [sflag:s14], $0x10  }
0x1f: {  	[sflag:s14] =	ssyncset.done $0x0  }
0x20: {  	[sflag:s14] =	ssyncadd.s32 $0xFFFFFFF0  }
0x21: {  	s31 =	rddreg [dreg:$0x5]  }
0x22: {  	[tilespmem:s18], [sflag:$0x2] =	stream.linear.gather [hbm4b:s31+s4], $0x14, $0x38;
	[tilespmem:$0x10C30] =	vst v63  }
0x23: {  	_ =	swait.ge [sflag:s14], $0x14  }
0x24: {  	[sflag:s14] =	ssyncset.done $0x0  }
0x25: {  	[sflag:s14] =	ssyncadd.s32 $0xFFFFFFEC  }
0x26: {  	[tilespmem:s19], [sflag:$0x1] =	stream.indirect.gather [hbm4b:s2+s15], $0x1, s4, s15, $0xb8;
	[tilespmem:$0x10C30] =	vst v63  }
0x27: {  	s1 =	simm.s32 $0x210  }
0x28: {  	[tilespmem:s20], [sflag:$0x1] =	stream.indirect.gather [hbm4b:s8+s15], $0x1, s15, s15, $0xb8;
	[tilespmem:$0x10C30] =	vst v63  }
0x29: {  	v0 =	vld [tilespmem:s1+$0xFFFFFFF0];
	_ =	sdelay $0x4  }
0x2a: {  	v1 =	vshll.u32 v0, $0x3  }
0x2b: {  	v0 =	vand.u32 $0x7F, v0;
	v1 =	vand.u32 $0xFFFFFC00, v1  }
0x2c: {  	s0 =	simm.s32 $0x6600;
	v0 =	vor.u32 v0, v1  }
0x2d: {  	[tilespmem:s0+$0xFFFFE000] =	vst v0;
	v1 =	vor.u32 $0x80, v0  }
0x2e: {  	[tilespmem:s0+$0xFFFFE200] =	vst v1;
	v1 =	vor.u32 $0x100, v0  }
0x2f: {  	[tilespmem:s0+$0xFFFFE400] =	vst v1;
	v1 =	vor.u32 $0x180, v0  }
0x30: {  	[tilespmem:s0+$0xFFFFE600] =	vst v1;
	v1 =	vor.u32 $0x200, v0  }
0x31: {  	[tilespmem:s0+$0xFFFFE800] =	vst v1;
	v1 =	vor.u32 $0x280, v0  }
0x32: {  	[tilespmem:s0+$0xFFFFEA00] =	vst v1;
	v1 =	vor.u32 $0x300, v0  }
0x33: {  	[tilespmem:s0+$0xFFFFEC00] =	vst v1;
	v1 =	vor.u32 $0x380, v0  }
0x34: {  	[tilespmem:s0+$0xFFFFEE00] =	vst v1;
	v1 =	vadd.s32 $0xC3800, v0  }
0x35: {  	[tilespmem:s0+$0xFFFFF000] =	vst v1;
	v1 =	vadd.s32 $0xC3880, v0  }
0x36: {  	[tilespmem:s0+$0xFFFFF200] =	vst v1;
	v1 =	vadd.s32 $0xC3900, v0  }
0x37: {  	[tilespmem:s0+$0xFFFFF400] =	vst v1;
	v1 =	vadd.s32 $0xC3980, v0  }
0x38: {  	[tilespmem:s0+$0xFFFFF600] =	vst v1;
	v1 =	vadd.s32 $0xC3A00, v0  }
0x39: {  	[tilespmem:s0+$0xFFFFF800] =	vst v1;
	v1 =	vadd.s32 $0xC3A80, v0  }
0x3a: {  	[tilespmem:s0+$0xFFFFFA00] =	vst v1;
	v1 =	vadd.s32 $0xC3B00, v0  }
0x3b: {  	[tilespmem:s0+$0xFFFFFC00] =	vst v1;
	v1 =	vadd.s32 $0xC3B80, v0  }
0x3c: {  	[tilespmem:s0+$0xFFFFFE00] =	vst v1;
	v1 =	vadd.s32 $0x187000, v0  }
0x3d: {  	[tilespmem:s0+$0x0] =	vst v1;
	v1 =	vadd.s32 $0x187080, v0  }
0x3e: {  	[tilespmem:s0+$0x200] =	vst v1;
	v1 =	vadd.s32 $0x187100, v0  }
0x3f: {  	[tilespmem:s0+$0x400] =	vst v1;
	v1 =	vadd.s32 $0x187180, v0  }
0x40: {  	[tilespmem:s0+$0x600] =	vst v1;
	v1 =	vadd.s32 $0x187200, v0  }
0x41: {  	[tilespmem:s0+$0x800] =	vst v1;
	v1 =	vadd.s32 $0x187280, v0  }
0x42: {  	[tilespmem:s0+$0xA00] =	vst v1;
	v1 =	vadd.s32 $0x187300, v0  }
0x43: {  	[tilespmem:s0+$0xC00] =	vst v1;
	v1 =	vadd.s32 $0x187380, v0  }
0x44: {  	v2 =	vld [tilespmem:s1+$0x0];
	[tilespmem:s0+$0xE00] =	vst v1;
	v1 =	vadd.s32 $0x24A800, v0  }
0x45: {  	[tilespmem:s0+$0x1000] =	vst v1;
	v1 =	vadd.s32 $0x24A880, v0  }
0x46: {  	[tilespmem:s0+$0x1200] =	vst v1;
	v1 =	vadd.s32 $0x24A900, v0  }
0x47: {  	[tilespmem:s0+$0x1400] =	vst v1;
	v1 =	vadd.s32 $0x24A980, v0  }
0x48: {  	[tilespmem:s0+$0x1600] =	vst v1;
	v1 =	vadd.s32 $0x24AA00, v0  }
0x49: {  	v3 =	vshll.u32 v2, $0x3;
	[tilespmem:s0+$0x1800] =	vst v1;
	v1 =	vadd.s32 $0x24AA80, v0  }
0x4a: {  	v2 =	vand.u32 $0x7F, v2;
	v3 =	vand.u32 $0xFFFFFC00, v3;
	[tilespmem:s0+$0x1A00] =	vst v1;
	v1 =	vadd.s32 $0x24AB00, v0  }
0x4b: {  	[tilespmem:s0+$0x1C00] =	vst v1;
	v1 =	vadd.s32 $0x24AB80, v0;
	v0 =	vor.u32 v2, v3  }
0x4c: {  	[tilespmem:s0+$0x1E00] =	vst v1;
	v1 =	vadd.s32 $0x24AB80, v0  }
0x4d: {  	v2 =	vadd.s32 $0x24AB00, v0;
	[tilespmem:s0+$0x1E10] =	vst v1  }
0x4e: {  	v1 =	vadd.s32 $0x24AA80, v0;
	[tilespmem:s0+$0x1C10] =	vst v2  }
0x4f: {  	v2 =	vadd.s32 $0x24AA00, v0;
	[tilespmem:s0+$0x1A10] =	vst v1  }
0x50: {  	v1 =	vadd.s32 $0x24A980, v0;
	[tilespmem:s0+$0x1810] =	vst v2  }
0x51: {  	v2 =	vadd.s32 $0x24A900, v0;
	[tilespmem:s0+$0x1610] =	vst v1  }
0x52: {  	v1 =	vadd.s32 $0x24A880, v0;
	[tilespmem:s0+$0x1410] =	vst v2  }
0x53: {  	v2 =	vadd.s32 $0x24A800, v0;
	[tilespmem:s0+$0x1210] =	vst v1  }
0x54: {  	v1 =	vadd.s32 $0x187380, v0;
	[tilespmem:s0+$0x1010] =	vst v2  }
0x55: {  	v2 =	vadd.s32 $0x187300, v0;
	[tilespmem:s0+$0xE10] =	vst v1  }
0x56: {  	v1 =	vadd.s32 $0x187280, v0;
	[tilespmem:s0+$0xC10] =	vst v2  }
0x57: {  	v2 =	vadd.s32 $0x187200, v0;
	[tilespmem:s0+$0xA10] =	vst v1  }
0x58: {  	v1 =	vadd.s32 $0x187180, v0;
	[tilespmem:s0+$0x810] =	vst v2  }
0x59: {  	v2 =	vadd.s32 $0x187100, v0;
	[tilespmem:s0+$0x610] =	vst v1  }
0x5a: {  	v1 =	vadd.s32 $0x187080, v0;
	[tilespmem:s0+$0x410] =	vst v2  }
0x5b: {  	v2 =	vor.u32 $0x80, v0;
	[tilespmem:s0+$0x210] =	vst v1  }
0x5c: {  	v1 =	vor.u32 $0x100, v0;
	[tilespmem:s0+$0xFFFFE210] =	vst v2  }
0x5d: {  	v2 =	vor.u32 $0x180, v0;
	[tilespmem:s0+$0xFFFFE410] =	vst v1  }
0x5e: {  	v1 =	vor.u32 $0x200, v0;
	[tilespmem:s0+$0xFFFFE610] =	vst v2  }
0x5f: {  	v2 =	vor.u32 $0x280, v0;
	[tilespmem:s0+$0xFFFFE810] =	vst v1  }
0x60: {  	v1 =	vor.u32 $0x300, v0;
	[tilespmem:s0+$0xFFFFEA10] =	vst v2  }
0x61: {  	v2 =	vor.u32 $0x380, v0;
	[tilespmem:s0+$0xFFFFEC10] =	vst v1  }
0x62: {  	v1 =	vadd.s32 $0xC3800, v0;
	[tilespmem:s0+$0xFFFFEE10] =	vst v2  }
0x63: {  	v2 =	vadd.s32 $0xC3880, v0;
	[tilespmem:s0+$0xFFFFF010] =	vst v1  }
0x64: {  	v1 =	vadd.s32 $0xC3900, v0;
	[tilespmem:s0+$0xFFFFF210] =	vst v2  }
0x65: {  	v2 =	vadd.s32 $0xC3980, v0;
	[tilespmem:s0+$0xFFFFF410] =	vst v1  }
0x66: {  	v1 =	vadd.s32 $0xC3A00, v0;
	[tilespmem:s0+$0xFFFFF610] =	vst v2  }
0x67: {  	v2 =	vadd.s32 $0xC3A80, v0;
	[tilespmem:s0+$0xFFFFF810] =	vst v1  }
0x68: {  	v1 =	vadd.s32 $0xC3B00, v0;
	[tilespmem:s0+$0xFFFFFA10] =	vst v2  }
0x69: {  	v2 =	vadd.s32 $0xC3B80, v0;
	[tilespmem:s0+$0xFFFFFC10] =	vst v1  }
0x6a: {  	s3 =	simm.s32 $0x230;
	s5 =	simm.s32 $0x6600;
	s1 =	simm.s32 $0x0;
	v1 =	vadd.s32 $0x187000, v0;
	[tilespmem:s0+$0xFFFFFE10] =	vst v2  }
.LBB2_2:
0x6b: {  	v2 =	vld [tilespmem:s3+$0xFFFFFFF0];
	s1 =	sadd.s32 $0x20, s1;
	[tilespmem:s0+$0x10] =	vst v1;
	s5 =	sadd.s32 $0x20, s5  }
0x6c: {  	p0 =	slt.u32 s1, $0x1E0;
	[tilespmem:s0+$0xFFFFE010] =	vst v0;
	s0 =	smov.u32 s5;
	_ =	sdelay $0x3  }
0x6d: {  	v0 =	vshll.u32 v2, $0x3;
	v1 =	vand.u32 $0x7F, v2  }
0x6e: {  	v0 =	vand.u32 $0xFFFFFC00, v0  }
0x6f: {  	v0 =	vor.u32 v1, v0  }
0x70: {  	[tilespmem:s5+$0xFFFFE000] =	vst v0;
	v1 =	vor.u32 $0x80, v0  }
0x71: {  	[tilespmem:s5+$0xFFFFE200] =	vst v1;
	v1 =	vor.u32 $0x100, v0  }
0x72: {  	[tilespmem:s5+$0xFFFFE400] =	vst v1;
	v1 =	vor.u32 $0x180, v0  }
0x73: {  	[tilespmem:s5+$0xFFFFE600] =	vst v1;
	v1 =	vor.u32 $0x200, v0  }
0x74: {  	[tilespmem:s5+$0xFFFFE800] =	vst v1;
	v1 =	vor.u32 $0x280, v0  }
0x75: {  	[tilespmem:s5+$0xFFFFEA00] =	vst v1;
	v1 =	vor.u32 $0x300, v0  }
0x76: {  	[tilespmem:s5+$0xFFFFEC00] =	vst v1;
	v1 =	vor.u32 $0x380, v0  }
0x77: {  	[tilespmem:s5+$0xFFFFEE00] =	vst v1;
	v1 =	vadd.s32 $0xC3800, v0  }
0x78: {  	[tilespmem:s5+$0xFFFFF000] =	vst v1;
	v1 =	vadd.s32 $0xC3880, v0  }
0x79: {  	[tilespmem:s5+$0xFFFFF200] =	vst v1;
	v1 =	vadd.s32 $0xC3900, v0  }
0x7a: {  	[tilespmem:s5+$0xFFFFF400] =	vst v1;
	v1 =	vadd.s32 $0xC3980, v0  }
0x7b: {  	[tilespmem:s5+$0xFFFFF600] =	vst v1;
	v1 =	vadd.s32 $0xC3A00, v0  }
0x7c: {  	[tilespmem:s5+$0xFFFFF800] =	vst v1;
	v1 =	vadd.s32 $0xC3A80, v0  }
0x7d: {  	[tilespmem:s5+$0xFFFFFA00] =	vst v1;
	v1 =	vadd.s32 $0xC3B00, v0  }
0x7e: {  	[tilespmem:s5+$0xFFFFFC00] =	vst v1;
	v1 =	vadd.s32 $0xC3B80, v0  }
0x7f: {  	[tilespmem:s5+$0xFFFFFE00] =	vst v1;
	v1 =	vadd.s32 $0x187000, v0  }
0x80: {  	[tilespmem:s5+$0x0] =	vst v1;
	v1 =	vadd.s32 $0x187080, v0  }
0x81: {  	[tilespmem:s5+$0x200] =	vst v1;
	v1 =	vadd.s32 $0x187100, v0  }
0x82: {  	[tilespmem:s5+$0x400] =	vst v1;
	v1 =	vadd.s32 $0x187180, v0  }
0x83: {  	[tilespmem:s5+$0x600] =	vst v1;
	v1 =	vadd.s32 $0x187200, v0  }
0x84: {  	[tilespmem:s5+$0x800] =	vst v1;
	v1 =	vadd.s32 $0x187280, v0  }
0x85: {  	[tilespmem:s5+$0xA00] =	vst v1;
	v1 =	vadd.s32 $0x187300, v0  }
0x86: {  	[tilespmem:s5+$0xC00] =	vst v1;
	v1 =	vadd.s32 $0x187380, v0  }
0x87: {  	[tilespmem:s5+$0xE00] =	vst v1;
	v1 =	vadd.s32 $0x24A800, v0;
	v2 =	vld [tilespmem:s3+$0x0]  }
0x88: {  	[tilespmem:s5+$0x1000] =	vst v1;
	v1 =	vadd.s32 $0x24A880, v0  }
0x89: {  	[tilespmem:s5+$0x1200] =	vst v1;
	v1 =	vadd.s32 $0x24A900, v0  }
0x8a: {  	[tilespmem:s5+$0x1400] =	vst v1;
	v1 =	vadd.s32 $0x24A980, v0  }
0x8b: {  	[tilespmem:s5+$0x1600] =	vst v1;
	v1 =	vadd.s32 $0x24AA00, v0  }
0x8c: {  	[tilespmem:s5+$0x1800] =	vst v1;
	v1 =	vadd.s32 $0x24AA80, v0;
	v3 =	vshll.u32 v2, $0x3  }
0x8d: {  	v2 =	vand.u32 $0x7F, v2;
	[tilespmem:s5+$0x1A00] =	vst v1;
	v1 =	vadd.s32 $0x24AB00, v0;
	v3 =	vand.u32 $0xFFFFFC00, v3  }
0x8e: {  	[tilespmem:s5+$0x1C00] =	vst v1;
	v1 =	vadd.s32 $0x24AB80, v0;
	v0 =	vor.u32 v2, v3  }
0x8f: {  	[tilespmem:s5+$0x1E00] =	vst v1;
	v2 =	vor.u32 $0x80, v0;
	v3 =	vadd.s32 $0x187080, v0;
	v1 =	vadd.s32 $0x24AB80, v0  }
0x90: {  	v4 =	vor.u32 $0x100, v0;
	v5 =	vadd.s32 $0x187100, v0;
	v6 =	vadd.s32 $0x24AB00, v0;
	[tilespmem:s5+$0x1E10] =	vst v1  }
0x91: {  	v7 =	vor.u32 $0x180, v0;
	v8 =	vadd.s32 $0x24AA80, v0;
	v1 =	vadd.s32 $0x187180, v0;
	[tilespmem:s5+$0x1C10] =	vst v6  }
0x92: {  	v9 =	vadd.s32 $0x187200, v0;
	v10 =	vadd.s32 $0x24AA00, v0;
	v6 =	vor.u32 $0x200, v0;
	[tilespmem:s5+$0x1A10] =	vst v8  }
0x93: {  	v11 =	vadd.s32 $0x187280, v0;
	v12 =	vadd.s32 $0x24A980, v0;
	v8 =	vor.u32 $0x280, v0;
	[tilespmem:s5+$0x1810] =	vst v10  }
0x94: {  	v13 =	vadd.s32 $0x187300, v0;
	v14 =	vadd.s32 $0x24A900, v0;
	v10 =	vor.u32 $0x300, v0;
	[tilespmem:s5+$0x1610] =	vst v12  }
0x95: {  	v15 =	vadd.s32 $0x187380, v0;
	v16 =	vadd.s32 $0x24A880, v0;
	v12 =	vor.u32 $0x380, v0;
	[tilespmem:s5+$0x1410] =	vst v14  }
0x96: {  	v17 =	vadd.s32 $0x24A800, v0;
	v14 =	vadd.s32 $0xC3800, v0;
	[tilespmem:s5+$0x1210] =	vst v16  }
0x97: {  	v16 =	vadd.s32 $0xC3880, v0;
	[tilespmem:s5+$0x1010] =	vst v17  }
0x98: {  	v17 =	vadd.s32 $0xC3900, v0;
	[tilespmem:s5+$0xE10] =	vst v15  }
0x99: {  	v15 =	vadd.s32 $0xC3980, v0;
	[tilespmem:s5+$0xC10] =	vst v13  }
0x9a: {  	v13 =	vadd.s32 $0xC3A00, v0;
	[tilespmem:s5+$0xA10] =	vst v11  }
0x9b: {  	v11 =	vadd.s32 $0xC3A80, v0;
	[tilespmem:s5+$0x810] =	vst v9  }
0x9c: {  	v9 =	vadd.s32 $0xC3B00, v0;
	[tilespmem:s5+$0x610] =	vst v1  }
0x9d: {  	v18 =	vadd.s32 $0xC3B80, v0;
	[tilespmem:s5+$0x410] =	vst v5  }
0x9e: {  	v1 =	vadd.s32 $0x187000, v0;
	[tilespmem:s5+$0x210] =	vst v3  }
0x9f: {  	[tilespmem:s5+$0xFFFFE210] =	vst v2  }
0xa0: {  	[tilespmem:s5+$0xFFFFE410] =	vst v4  }
0xa1: {  	[tilespmem:s5+$0xFFFFE610] =	vst v7  }
0xa2: {  	[tilespmem:s5+$0xFFFFE810] =	vst v6  }
0xa3: {  	[tilespmem:s5+$0xFFFFEA10] =	vst v8  }
0xa4: {  	[tilespmem:s5+$0xFFFFEC10] =	vst v10  }
0xa5: {  	[tilespmem:s5+$0xFFFFEE10] =	vst v12  }
0xa6: {  	[tilespmem:s5+$0xFFFFF010] =	vst v14  }
0xa7: {  	[tilespmem:s5+$0xFFFFF210] =	vst v16  }
0xa8: {  	[tilespmem:s5+$0xFFFFF410] =	vst v17  }
.Ltmp0:
0xa9: {  	[tilespmem:s5+$0xFFFFF610] =	vst v15;
	(pc) =	sbr.rel @p0 .LBB2_2-.Ltmp0, $4  }
0xaa: {  	[tilespmem:s5+$0xFFFFF810] =	vst v13  }
0xab: {  	[tilespmem:s5+$0xFFFFFA10] =	vst v11  }
0xac: {  	[tilespmem:s5+$0xFFFFFC10] =	vst v9  }
0xad: {  	s3 =	sadd.s32 $0x20, s3;
	[tilespmem:s5+$0xFFFFFE10] =	vst v18  }
0xae: {  	[tilespmem:s0+$0x10] =	vst v1  }
0xaf: {  	[tilespmem:s0+$0xFFFFE010] =	vst v0;
	s1 =	simm.s32 $0x10  }
0xb0: {  	[tilespmem:s23], [sflag:$0x1] =	stream.indirect.gather [hbm4b:s6+s21], $0x1, s22, s21, $0xb8;
	[tilespmem:$0x10C30] =	vst v63  }
0xb1: {  	v0 =	vld [tilespmem:s1+$0x0]  }
0xb2: {  	s0 =	simm.s32 $0x410;
	v1 =	vld [tilespmem:s1+$0xFFFFFFF0]  }
0xb3: {  	v2 =	vld [tilespmem:s0+$0x0]  }
0xb4: {  	v3 =	vld [tilespmem:s0+$0xFFFFFFF0];
	_ =	sdelay $0x1  }
0xb5: {  	v0 =	vmul.u32 $0x14, v0  }
0xb6: {  	v1 =	vmul.u32 $0x14, v1  }
0xb7: {  	v0 =	vadd.s32 v2, v0  }
0xb8: {  	v1 =	vadd.s32 v3, v1;
	v2 =	vshll.u32 v0, $0x3  }
0xb9: {  	v3 =	vshll.u32 v1, $0x3;
	v0 =	vand.u32 $0x7F, v0;
	v2 =	vand.u32 $0xFFFFFC00, v2  }
0xba: {  	v1 =	vand.u32 $0x7F, v1;
	v3 =	vand.u32 $0xFFFFFC00, v3;
	v0 =	vor.u32 v0, v2  }
0xbb: {  	s1 =	simm.s32 $0x2600;
	v1 =	vor.u32 v1, v3;
	v2 =	vadd.s32 $0x2DC6F80, v0  }
0xbc: {  	v3 =	vor.u32 $0x80, v1;
	[tilespmem:s1+$0x1E10] =	vst v2  }
0xbd: {  	v4 =	vadd.s32 $0xF42700, v0;
	[tilespmem:s1+$0xFFFFE200] =	vst v3  }
0xbe: {  	v5 =	vadd.s32 $0x1E84800, v0;
	[tilespmem:s1+$0xFFFFFC10] =	vst v4  }
0xbf: {  	v6 =	vadd.s32 $0x1E84900, v0;
	[tilespmem:s1+$0x10] =	vst v5  }
0xc0: {  	v13 =	vadd.s32 $0x1E84A00, v0;
	[tilespmem:s1+$0x410] =	vst v6  }
0xc1: {  	v2 =	vor.u32 $0x100, v1;
	[tilespmem:s1+$0x810] =	vst v13  }
0xc2: {  	v3 =	vor.u32 $0x180, v1;
	[tilespmem:s1+$0xFFFFE400] =	vst v2  }
0xc3: {  	v4 =	vadd.s32 $0x1E84980, v0;
	[tilespmem:s1+$0xFFFFE600] =	vst v3  }
0xc4: {  	v2 =	vadd.s32 $0x1E84800, v1;
	[tilespmem:s1+$0x610] =	vst v4  }
0xc5: {  	v3 =	vor.u32 $0x280, v1;
	[tilespmem:s1+$0x0] =	vst v2  }
0xc6: {  	v2 =	vor.u32 $0x200, v1;
	[tilespmem:s1+$0xFFFFEA00] =	vst v3  }
0xc7: {  	v3 =	vor.u32 $0x380, v1;
	[tilespmem:s1+$0xFFFFE800] =	vst v2  }
0xc8: {  	v2 =	vor.u32 $0x300, v1;
	[tilespmem:s1+$0xFFFFEE00] =	vst v3  }
0xc9: {  	v3 =	vadd.s32 $0xF42480, v1;
	[tilespmem:s1+$0xFFFFEC00] =	vst v2  }
0xca: {  	v2 =	vadd.s32 $0xF42400, v1;
	[tilespmem:s1+$0xFFFFF200] =	vst v3  }
0xcb: {  	v3 =	vadd.s32 $0xF42580, v1;
	[tilespmem:s1+$0xFFFFF000] =	vst v2  }
0xcc: {  	v2 =	vadd.s32 $0xF42500, v1;
	[tilespmem:s1+$0xFFFFF600] =	vst v3  }
0xcd: {  	v3 =	vadd.s32 $0xF42680, v1;
	[tilespmem:s1+$0xFFFFF400] =	vst v2  }
0xce: {  	v2 =	vadd.s32 $0xF42600, v1;
	[tilespmem:s1+$0xFFFFFA00] =	vst v3  }
0xcf: {  	v3 =	vadd.s32 $0xF42780, v1;
	[tilespmem:s1+$0xFFFFF800] =	vst v2  }
0xd0: {  	v2 =	vadd.s32 $0xF42700, v1;
	[tilespmem:s1+$0xFFFFFE00] =	vst v3  }
0xd1: {  	v3 =	vadd.s32 $0x1E84900, v1;
	[tilespmem:s1+$0xFFFFFC00] =	vst v2  }
0xd2: {  	v2 =	vadd.s32 $0x1E84880, v1;
	[tilespmem:s1+$0x400] =	vst v3  }
0xd3: {  	v3 =	vadd.s32 $0x1E84A00, v1;
	[tilespmem:s1+$0x200] =	vst v2  }
0xd4: {  	v2 =	vadd.s32 $0x1E84980, v1;
	[tilespmem:s1+$0x800] =	vst v3  }
0xd5: {  	v3 =	vadd.s32 $0x1E84B00, v1;
	[tilespmem:s1+$0x600] =	vst v2  }
0xd6: {  	v2 =	vadd.s32 $0x1E84A80, v1;
	[tilespmem:s1+$0xC00] =	vst v3  }
0xd7: {  	v3 =	vadd.s32 $0x2DC6C00, v1;
	[tilespmem:s1+$0xA00] =	vst v2  }
0xd8: {  	v2 =	vadd.s32 $0x1E84B80, v1;
	[tilespmem:s1+$0x1000] =	vst v3  }
0xd9: {  	v3 =	vadd.s32 $0x2DC6D00, v1;
	[tilespmem:s1+$0xE00] =	vst v2  }
0xda: {  	v2 =	vadd.s32 $0x2DC6C80, v1;
	[tilespmem:s1+$0x1400] =	vst v3  }
0xdb: {  	v3 =	vadd.s32 $0x2DC6E00, v1;
	[tilespmem:s1+$0x1200] =	vst v2  }
0xdc: {  	v2 =	vadd.s32 $0x2DC6D80, v1;
	[tilespmem:s1+$0x1800] =	vst v3  }
0xdd: {  	v3 =	vadd.s32 $0x2DC6F00, v1;
	[tilespmem:s1+$0x1600] =	vst v2  }
0xde: {  	v2 =	vadd.s32 $0x2DC6E80, v1;
	[tilespmem:s1+$0x1C00] =	vst v3  }
0xdf: {  	v3 =	vor.u32 $0x80, v0;
	[tilespmem:s1+$0x1A00] =	vst v2  }
0xe0: {  	v2 =	vadd.s32 $0x2DC6F80, v1;
	[tilespmem:s1+$0xFFFFE210] =	vst v3  }
0xe1: {  	v3 =	vor.u32 $0x180, v0;
	[tilespmem:s1+$0x1E00] =	vst v2  }
0xe2: {  	v2 =	vor.u32 $0x100, v0;
	[tilespmem:s1+$0xFFFFE610] =	vst v3  }
0xe3: {  	v3 =	vor.u32 $0x280, v0;
	[tilespmem:s1+$0xFFFFE410] =	vst v2  }
0xe4: {  	v2 =	vor.u32 $0x200, v0;
	[tilespmem:s1+$0xFFFFEA10] =	vst v3  }
0xe5: {  	v3 =	vor.u32 $0x380, v0;
	[tilespmem:s1+$0xFFFFE810] =	vst v2  }
0xe6: {  	v2 =	vor.u32 $0x300, v0;
	[tilespmem:s1+$0xFFFFEE10] =	vst v3  }
0xe7: {  	v12 =	vadd.s32 $0x1E84A80, v0;
	v3 =	vadd.s32 $0xF42480, v0;
	[tilespmem:s1+$0xFFFFEC10] =	vst v2  }
0xe8: {  	v11 =	vadd.s32 $0x1E84B00, v0;
	v2 =	vadd.s32 $0xF42400, v0;
	[tilespmem:s1+$0xFFFFF210] =	vst v3  }
0xe9: {  	v10 =	vadd.s32 $0x1E84B80, v0;
	v3 =	vadd.s32 $0xF42580, v0;
	[tilespmem:s1+$0xFFFFF010] =	vst v2  }
0xea: {  	v8 =	vadd.s32 $0x2DC6C00, v0;
	v2 =	vadd.s32 $0xF42500, v0;
	[tilespmem:s1+$0xFFFFF610] =	vst v3  }
0xeb: {  	v9 =	vadd.s32 $0x2DC6C80, v0;
	v3 =	vadd.s32 $0xF42680, v0;
	[tilespmem:s1+$0xFFFFF410] =	vst v2  }
0xec: {  	v7 =	vadd.s32 $0x2DC6D00, v0;
	v2 =	vadd.s32 $0xF42600, v0;
	[tilespmem:s1+$0xFFFFFA10] =	vst v3  }
0xed: {  	v6 =	vadd.s32 $0x2DC6D80, v0;
	v3 =	vadd.s32 $0x1E84880, v0;
	[tilespmem:s1+$0xFFFFF810] =	vst v2  }
0xee: {  	v5 =	vadd.s32 $0x2DC6E00, v0;
	v2 =	vadd.s32 $0xF42780, v0;
	[tilespmem:s1+$0x210] =	vst v3  }
0xef: {  	s3 =	simm.s32 $0x0;
	s5 =	simm.s32 $0x30;
	v4 =	vadd.s32 $0x2DC6E80, v0;
	v3 =	vadd.s32 $0x2DC6F00, v0;
	[tilespmem:s1+$0xFFFFFE10] =	vst v2  }
.LBB2_4:
0xf0: {  	v2 =	vld [tilespmem:s5+$0x0];
	s3 =	sadd.s32 $0x20, s3;
	[tilespmem:s1+$0xA10] =	vst v12  }
0xf1: {  	s0 =	sadd.s32 $0x20, s0;
	v12 =	vld [tilespmem:s5+$0xFFFFFFF0];
	p0 =	slt.u32 s3, $0x1E0;
	[tilespmem:s1+$0xC10] =	vst v11  }
0xf2: {  	v11 =	vld [tilespmem:s0+$0x0];
	[tilespmem:s1+$0xE10] =	vst v10  }
0xf3: {  	v10 =	vld [tilespmem:s0+$0xFFFFFFF0];
	[tilespmem:s1+$0x1010] =	vst v8  }
0xf4: {  	[tilespmem:s1+$0x1210] =	vst v9  }
0xf5: {  	v2 =	vmul.u32 $0x14, v2;
	[tilespmem:s1+$0x1410] =	vst v7  }
0xf6: {  	v7 =	vmul.u32 $0x14, v12;
	[tilespmem:s1+$0x1610] =	vst v6  }
0xf7: {  	v2 =	vadd.s32 v11, v2;
	[tilespmem:s1+$0x1810] =	vst v5  }
0xf8: {  	v5 =	vadd.s32 v10, v7;
	v6 =	vshll.u32 v2, $0x3;
	[tilespmem:s1+$0x1A10] =	vst v4  }
0xf9: {  	v2 =	vand.u32 $0x7F, v2;
	v4 =	vshll.u32 v5, $0x3;
	v6 =	vand.u32 $0xFFFFFC00, v6;
	[tilespmem:s1+$0x1C10] =	vst v3  }
0xfa: {  	v3 =	vand.u32 $0xFFFFFC00, v4;
	v4 =	vand.u32 $0x7F, v5;
	v5 =	vor.u32 v2, v6;
	[tilespmem:s1+$0xFFFFE000] =	vst v1  }
0xfb: {  	v1 =	vor.u32 v4, v3;
	v2 =	vor.u32 $0x80, v5;
	v3 =	vadd.s32 $0x2DC6F80, v5;
	[tilespmem:s1+$0xFFFFE010] =	vst v0;
	s1 =	sadd.s32 $0x20, s1;
	v0 =	vmovc v5  }
0xfc: {  	v4 =	vor.u32 $0x80, v1;
	v5 =	vor.u32 $0x100, v1;
	v6 =	vor.u32 $0x180, v1;
	[tilespmem:s1+$0x1E10] =	vst v3  }
0xfd: {  	v3 =	vor.u32 $0x200, v1;
	v13 =	vor.u32 $0x300, v1;
	[tilespmem:s1+$0xFFFFE200] =	vst v4;
	v4 =	vor.u32 $0x280, v1  }
0xfe: {  	v14 =	vor.u32 $0x380, v1;
	v15 =	vadd.s32 $0xF42400, v1;
	v16 =	vadd.s32 $0xF42480, v1;
	[tilespmem:s1+$0xFFFFE400] =	vst v5  }
0xff: {  	v17 =	vadd.s32 $0xF42500, v1;
	v18 =	vadd.s32 $0xF42580, v1;
	v19 =	vadd.s32 $0xF42600, v1  }
0x100: {  	v20 =	vadd.s32 $0xF42680, v1;
	v21 =	vadd.s32 $0xF42700, v1;
	v22 =	vadd.s32 $0xF42780, v1  }
0x101: {  	v23 =	vadd.s32 $0x1E84880, v1;
	v24 =	vadd.s32 $0x1E84900, v1;
	v5 =	vadd.s32 $0x1E84800, v1  }
0x102: {  	v25 =	vadd.s32 $0x1E84980, v1;
	v26 =	vadd.s32 $0x1E84A00, v1;
	v27 =	vadd.s32 $0x1E84A80, v1;
	[tilespmem:s1+$0x0] =	vst v5  }
0x103: {  	v28 =	vadd.s32 $0x1E84B00, v1;
	v29 =	vadd.s32 $0x1E84B80, v1;
	v30 =	vadd.s32 $0x2DC6C00, v1  }
0x104: {  	v31 =	vadd.s32 $0x2DC6C80, v1;
	v32 =	vadd.s32 $0x2DC6D00, v1;
	v33 =	vadd.s32 $0x2DC6D80, v1  }
0x105: {  	v34 =	vadd.s32 $0x2DC6E00, v1;
	v35 =	vadd.s32 $0x2DC6E80, v1;
	v36 =	vadd.s32 $0x2DC6F00, v1  }
0x106: {  	v37 =	vadd.s32 $0x2DC6F80, v1;
	v38 =	vor.u32 $0x100, v0;
	v39 =	vor.u32 $0x180, v0;
	[tilespmem:s1+$0xFFFFE600] =	vst v6  }
0x107: {  	v40 =	vor.u32 $0x200, v0;
	v41 =	vor.u32 $0x280, v0;
	v42 =	vor.u32 $0x300, v0;
	[tilespmem:s1+$0xFFFFE800] =	vst v3  }
0x108: {  	v43 =	vor.u32 $0x380, v0;
	v44 =	vadd.s32 $0xF42400, v0;
	v45 =	vadd.s32 $0xF42480, v0;
	[tilespmem:s1+$0xFFFFEA00] =	vst v4  }
0x109: {  	v46 =	vadd.s32 $0xF42500, v0;
	v47 =	vadd.s32 $0xF42580, v0;
	v48 =	vadd.s32 $0xF42600, v0  }
0x10a: {  	v49 =	vadd.s32 $0xF42680, v0;
	v50 =	vadd.s32 $0xF42700, v0;
	v51 =	vadd.s32 $0xF42780, v0  }
0x10b: {  	v52 =	vadd.s32 $0x1E84800, v0;
	v53 =	vadd.s32 $0x1E84880, v0;
	v54 =	vadd.s32 $0x1E84900, v0  }
0x10c: {  	v55 =	vadd.s32 $0x1E84980, v0;
	v56 =	vadd.s32 $0x1E84A00, v0;
	v12 =	vadd.s32 $0x1E84A80, v0  }
0x10d: {  	v11 =	vadd.s32 $0x1E84B00, v0;
	v10 =	vadd.s32 $0x1E84B80, v0;
	v8 =	vadd.s32 $0x2DC6C00, v0  }
0x10e: {  	v9 =	vadd.s32 $0x2DC6C80, v0;
	v7 =	vadd.s32 $0x2DC6D00, v0;
	v6 =	vadd.s32 $0x2DC6D80, v0  }
0x10f: {  	v5 =	vadd.s32 $0x2DC6E00, v0;
	v3 =	vadd.s32 $0x2DC6F00, v0;
	v4 =	vadd.s32 $0x2DC6E80, v0  }
0x110: {  	[tilespmem:s1+$0xFFFFEC00] =	vst v13  }
0x111: {  	[tilespmem:s1+$0xFFFFEE00] =	vst v14  }
0x112: {  	[tilespmem:s1+$0xFFFFF000] =	vst v15  }
0x113: {  	[tilespmem:s1+$0xFFFFF200] =	vst v16  }
0x114: {  	[tilespmem:s1+$0xFFFFF400] =	vst v17  }
0x115: {  	[tilespmem:s1+$0xFFFFF600] =	vst v18  }
0x116: {  	[tilespmem:s1+$0xFFFFF800] =	vst v19  }
0x117: {  	[tilespmem:s1+$0xFFFFFA00] =	vst v20  }
0x118: {  	[tilespmem:s1+$0xFFFFFC00] =	vst v21  }
0x119: {  	[tilespmem:s1+$0xFFFFFE00] =	vst v22  }
0x11a: {  	[tilespmem:s1+$0x200] =	vst v23  }
0x11b: {  	[tilespmem:s1+$0x400] =	vst v24  }
0x11c: {  	[tilespmem:s1+$0x600] =	vst v25  }
0x11d: {  	[tilespmem:s1+$0x800] =	vst v26  }
0x11e: {  	[tilespmem:s1+$0xA00] =	vst v27  }
0x11f: {  	[tilespmem:s1+$0xC00] =	vst v28  }
0x120: {  	[tilespmem:s1+$0xE00] =	vst v29  }
0x121: {  	[tilespmem:s1+$0x1000] =	vst v30  }
0x122: {  	[tilespmem:s1+$0x1200] =	vst v31  }
0x123: {  	[tilespmem:s1+$0x1400] =	vst v32  }
0x124: {  	[tilespmem:s1+$0x1600] =	vst v33  }
0x125: {  	[tilespmem:s1+$0x1800] =	vst v34  }
0x126: {  	[tilespmem:s1+$0x1A00] =	vst v35  }
0x127: {  	[tilespmem:s1+$0x1C00] =	vst v36  }
0x128: {  	[tilespmem:s1+$0x1E00] =	vst v37  }
0x129: {  	[tilespmem:s1+$0xFFFFE210] =	vst v2  }
0x12a: {  	[tilespmem:s1+$0xFFFFE410] =	vst v38  }
0x12b: {  	[tilespmem:s1+$0xFFFFE610] =	vst v39  }
0x12c: {  	[tilespmem:s1+$0xFFFFE810] =	vst v40  }
0x12d: {  	[tilespmem:s1+$0xFFFFEA10] =	vst v41  }
0x12e: {  	[tilespmem:s1+$0xFFFFEC10] =	vst v42  }
0x12f: {  	[tilespmem:s1+$0xFFFFEE10] =	vst v43  }
0x130: {  	[tilespmem:s1+$0xFFFFF010] =	vst v44  }
0x131: {  	[tilespmem:s1+$0xFFFFF210] =	vst v45  }
0x132: {  	[tilespmem:s1+$0xFFFFF410] =	vst v46  }
0x133: {  	[tilespmem:s1+$0xFFFFF610] =	vst v47  }
0x134: {  	[tilespmem:s1+$0xFFFFF810] =	vst v48  }
0x135: {  	[tilespmem:s1+$0xFFFFFA10] =	vst v49  }
0x136: {  	[tilespmem:s1+$0xFFFFFC10] =	vst v50  }
0x137: {  	[tilespmem:s1+$0xFFFFFE10] =	vst v51  }
.Ltmp1:
0x138: {  	[tilespmem:s1+$0x10] =	vst v52;
	(pc) =	sbr.rel @p0 .LBB2_4-.Ltmp1, $4  }
0x139: {  	[tilespmem:s1+$0x210] =	vst v53  }
0x13a: {  	[tilespmem:s1+$0x410] =	vst v54  }
0x13b: {  	[tilespmem:s1+$0x610] =	vst v55  }
0x13c: {  	s5 =	sadd.s32 $0x20, s5;
	[tilespmem:s1+$0x810] =	vst v56  }
0x13d: {  	[tilespmem:s1+$0xA10] =	vst v12  }
0x13e: {  	[tilespmem:s1+$0xC10] =	vst v11  }
0x13f: {  	[tilespmem:s1+$0xE10] =	vst v10  }
0x140: {  	[tilespmem:s1+$0x1010] =	vst v8  }
0x141: {  	[tilespmem:s1+$0x1210] =	vst v9  }
0x142: {  	[tilespmem:s1+$0x1410] =	vst v7  }
0x143: {  	[tilespmem:s1+$0x1610] =	vst v6  }
0x144: {  	[tilespmem:s1+$0x1810] =	vst v5  }
0x145: {  	[tilespmem:s1+$0x1A10] =	vst v4  }
0x146: {  	[tilespmem:s1+$0x1C10] =	vst v3  }
0x147: {  	[tilespmem:s1+$0xFFFFE000] =	vst v1  }
0x148: {  	[tilespmem:s1+$0xFFFFE010] =	vst v0;
	s0 =	rddreg [dreg:$0x3]  }
0x149: {  	[tilespmem:s25], [sflag:$0x1] =	stream.indirect.gather [hbm4b:s0+s21], $0x1, s24, s21, $0xb8;
	[tilespmem:$0x10C30] =	vst v63  }
0x14a: {  	_ =	swait.ge [sflag:s26], $0x200  }
0x14b: {  	[sflag:s26] =	ssyncset.done $0x0  }
0x14c: {  	[sflag:s26] =	ssyncadd.s32 $0xFFFFFE00  }
0x14d: {  	_ =	swait.ge [sflag:s26], $0x200  }
0x14e: {  	[sflag:s26] =	ssyncset.done $0x0  }
0x14f: {  	[sflag:s26] =	ssyncadd.s32 $0xFFFFFE00  }
0x150: {  	_ =	swait.ge [sflag:s26], $0x4000  }
0x151: {  	[sflag:s26] =	ssyncset.done $0x0  }
0x152: {  	[sflag:s26] =	ssyncadd.s32 $0xFFFFC000  }
0x153: {  	_ =	swait.ge [sflag:s26], $0x4000  }
0x154: {  	[sflag:s26] =	ssyncset.done $0x0  }
0x155: {  	[sflag:s26] =	ssyncadd.s32 $0xFFFFC000  }
0x156: {  	v0 =	vld [tilespmem:$0x10A00]  }
0x157: {  	s16 =	simm.s32 $0x410;
	v1 =	vld [tilespmem:$0x10A10]  }
0x158: {  	v2 =	vld [tilespmem:s16+$0x0]  }
0x159: {  	v32 =	vld [tilespmem:s16+$0xFFFFFFF0]  }
0x15a: {  	s30 =	simm.s32 $0x10810;
	v33 =	vld [tilespmem:$0x10A20]  }
0x15b: {  	s5 =	simm.s32 $0x10610;
	v3 =	vld [tilespmem:s30+$0x0]  }
0x15c: {  	s31 =	simm.s32 $0xA600;
	v4 =	vld [tilespmem:s5+$0x0]  }
0x15d: {  	s0 =	simm.s32 $0xE600;
	v5 =	vld [tilespmem:s31+$0xFFFFE010]  }
0x15e: {  	v34 =	vld [tilespmem:s0+$0xFFFFE010]  }
0x15f: {  	v35 =	vld [tilespmem:s31+$0xFFFFE210]  }
0x160: {  	v36 =	vld [tilespmem:s0+$0xFFFFE210]  }
0x161: {  	v37 =	vld [tilespmem:s31+$0xFFFFE410]  }
0x162: {  	v38 =	vld [tilespmem:s0+$0xFFFFE410]  }
0x163: {  	v39 =	vld [tilespmem:s31+$0xFFFFE610]  }
0x164: {  	v40 =	vld [tilespmem:s0+$0xFFFFE610]  }
0x165: {  	v41 =	vld [tilespmem:s31+$0xFFFFE810]  }
0x166: {  	v42 =	vld [tilespmem:s0+$0xFFFFE810]  }
0x167: {  	v43 =	vld [tilespmem:s31+$0xFFFFEA10]  }
0x168: {  	v44 =	vld [tilespmem:s0+$0xFFFFEA10]  }
0x169: {  	v45 =	vld [tilespmem:s31+$0xFFFFEC10]  }
0x16a: {  	v46 =	vld [tilespmem:s0+$0xFFFFEC10]  }
0x16b: {  	v47 =	vld [tilespmem:s31+$0xFFFFEE10]  }
0x16c: {  	v48 =	vld [tilespmem:s0+$0xFFFFEE10]  }
0x16d: {  	v49 =	vld [tilespmem:s31+$0xFFFFF010]  }
0x16e: {  	v50 =	vld [tilespmem:s0+$0xFFFFF010]  }
0x16f: {  	v51 =	vld [tilespmem:s31+$0xFFFFF210]  }
0x170: {  	v52 =	vld [tilespmem:s0+$0xFFFFF210]  }
0x171: {  	v53 =	vld [tilespmem:s31+$0xFFFFF410]  }
0x172: {  	v54 =	vld [tilespmem:s0+$0xFFFFF410]  }
0x173: {  	v55 =	vld [tilespmem:s31+$0xFFFFF610]  }
0x174: {  	v56 =	vld [tilespmem:s0+$0xFFFFF610]  }
0x175: {  	v57 =	vld [tilespmem:s31+$0xFFFFF810]  }
0x176: {  	v58 =	vld [tilespmem:s0+$0xFFFFF810]  }
0x177: {  	v59 =	vld [tilespmem:s31+$0xFFFFFA10]  }
0x178: {  	v60 =	vld [tilespmem:s0+$0xFFFFFA10]  }
0x179: {  	v61 =	vld [tilespmem:s31+$0xFFFFFC10]  }
0x17a: {  	v62 =	vld [tilespmem:s0+$0xFFFFFC10]  }
0x17b: {  	v63 =	vld [tilespmem:s31+$0xFFFFFE10]  }
0x17c: {  	v6 =	vld [tilespmem:s0+$0xFFFFFE10]  }
0x17d: {  	v8 =	vld [tilespmem:s31+$0x10]  }
0x17e: {  	v7 =	vld [tilespmem:s0+$0x10]  }
0x17f: {  	v30 =	vld [tilespmem:s31+$0x210]  }
0x180: {  	v31 =	vld [tilespmem:s0+$0x210]  }
0x181: {  	v28 =	vld [tilespmem:s31+$0x410]  }
0x182: {  	v29 =	vld [tilespmem:s0+$0x410]  }
0x183: {  	v26 =	vld [tilespmem:s31+$0x610]  }
0x184: {  	v27 =	vld [tilespmem:s0+$0x610]  }
0x185: {  	v24 =	vld [tilespmem:s31+$0x810]  }
0x186: {  	v25 =	vld [tilespmem:s0+$0x810]  }
0x187: {  	v22 =	vld [tilespmem:s31+$0xA10]  }
0x188: {  	v23 =	vld [tilespmem:s0+$0xA10]  }
0x189: {  	v20 =	vld [tilespmem:s31+$0xC10]  }
0x18a: {  	v21 =	vld [tilespmem:s0+$0xC10]  }
0x18b: {  	v18 =	vld [tilespmem:s31+$0xE10];
	v9 =	vand.u32 $0xF, v2  }
0x18c: {  	v19 =	vld [tilespmem:s0+$0xE10];
	v12 =	vperm.xlane v0, v9;
	v9 =	vperm.xlane v1, v9  }
0x18d: {  	v16 =	vld [tilespmem:s31+$0x1010];
	vm0 =	vlt.s32 v2, $0x10  }
0x18e: {  	v17 =	vld [tilespmem:s0+$0x1010];
	v2 =	vsel vm0, v12, v9  }
0x18f: {  	v13 =	vld [tilespmem:s31+$0x1210];
	v2 =	vadd.f32 v2, v33  }
0x190: {  	v9 =	vld [tilespmem:s31+$0x1810]  }
0x191: {  	v15 =	vld [tilespmem:s0+$0x1210];
	v2 =	vadd.f32 v2, v4  }
0x192: {  	v11 =	vld [tilespmem:s31+$0x1410]  }
0x193: {  	v14 =	vld [tilespmem:s0+$0x1410];
	v2 =	vadd.f32 v2, v3;
	v3 =	vmul.f32 v34, v5  }
0x194: {  	v10 =	vld [tilespmem:s31+$0x1610]  }
0x195: {  	v36 =	vmul.f32 v36, v35;
	v12 =	vld [tilespmem:s0+$0x1610];
	[tilespmem:$0x1FFD0] =	vst v9;
	v2 =	vadd.f32 v3, v2  }
0x196: {  	v4 =	vld [tilespmem:s31+$0x1A10]  }
0x197: {  	v2 =	vadd.f32 v36, v2;
	v36 =	vmul.f32 v38, v37;
	_ =	sdelay $0x1  }
0x198: {  	v38 =	vmul.f32 v40, v39;
	v2 =	vadd.f32 v36, v2;
	_ =	sdelay $0x1  }
0x199: {  	v42 =	vmul.f32 v42, v41;
	v9 =	vld [tilespmem:s0+$0x1810];
	[tilespmem:$0x1FFE0] =	vst v4;
	v2 =	vadd.f32 v38, v2  }
0x19a: {  	v3 =	vld [tilespmem:s31+$0x1E10]  }
0x19b: {  	v44 =	vmul.f32 v44, v43;
	v2 =	vadd.f32 v42, v2;
	_ =	sdelay $0x1  }
0x19c: {  	v46 =	vmul.f32 v46, v45;
	v4 =	vld [tilespmem:s0+$0x1A10];
	v2 =	vadd.f32 v44, v2  }
0x19d: {  	v34 =	vld [tilespmem:s31+$0x1C10]  }
0x19e: {  	v5 =	vld [tilespmem:s0+$0x1C10];
	[tilespmem:$0x1FFF0] =	vst v3;
	v44 =	vmul.f32 v48, v47;
	v2 =	vadd.f32 v46, v2  }
0x19f: {  	v37 =	vld [tilespmem:s5+$0xFFFFFFF0]  }
0x1a0: {  	v48 =	vmul.f32 v50, v49;
	v45 =	vld [tilespmem:s31+$0xFFFFE800];
	v2 =	vadd.f32 v44, v2  }
0x1a1: {  	v52 =	vmul.f32 v52, v51;
	v39 =	vand.u32 $0xF, v32;
	v47 =	vld [tilespmem:s0+$0xFFFFE800]  }
0x1a2: {  	v36 =	vperm.xlane v0, v39;
	v39 =	vperm.xlane v1, v39;
	v40 =	vld [tilespmem:s30+$0xFFFFFFF0];
	v2 =	vadd.f32 v48, v2  }
0x1a3: {  	vm15 =	vlt.s32 v32, $0x10;
	v3 =	vld [tilespmem:s31+$0xFFFFE000]  }
0x1a4: {  	v54 =	vmul.f32 v54, v53;
	v36 =	vsel vm15, v36, v39;
	v32 =	vld [tilespmem:s0+$0xFFFFE000];
	v2 =	vadd.f32 v52, v2  }
0x1a5: {  	v33 =	vadd.f32 v33, v36;
	v39 =	vld [tilespmem:s31+$0xFFFFE200]  }
0x1a6: {  	v36 =	vld [tilespmem:s0+$0xFFFFE200];
	v45 =	vmul.f32 v47, v45;
	v47 =	vmul.f32 v56, v55;
	v2 =	vadd.f32 v54, v2  }
0x1a7: {  	v41 =	vld [tilespmem:s31+$0xFFFFE400]  }
0x1a8: {  	v51 =	vmul.f32 v58, v57;
	v42 =	vld [tilespmem:s31+$0xFFFFE600];
	v2 =	vadd.f32 v47, v2  }
0x1a9: {  	v50 =	vld [tilespmem:s0+$0xFFFFEA00];
	v33 =	vadd.f32 v37, v33  }
0x1aa: {  	v37 =	vld [tilespmem:s0+$0xFFFFE400];
	v55 =	vmul.f32 v60, v59;
	v2 =	vadd.f32 v51, v2  }
0x1ab: {  	v58 =	vld [tilespmem:s0+$0xFFFFF400];
	v3 =	vmul.f32 v32, v3;
	v33 =	vadd.f32 v40, v33  }
0x1ac: {  	v32 =	vld [tilespmem:s0+$0xFFFFE600];
	v59 =	vmul.f32 v62, v61;
	v2 =	vadd.f32 v55, v2  }
0x1ad: {  	v6 =	vmul.f32 v6, v63;
	v63 =	vld [tilespmem:s31+$0xFFFFF800];
	v46 =	vmul.f32 v36, v39;
	v3 =	vadd.f32 v3, v33  }
0x1ae: {  	v43 =	vld [tilespmem:s0+$0xFFFFF800];
	v2 =	vadd.f32 v59, v2  }
0x1af: {  	v44 =	vld [tilespmem:s0+$0xFFFFFA00];
	v49 =	vmul.f32 v37, v41;
	v3 =	vadd.f32 v46, v3  }
0x1b0: {  	v39 =	vld [tilespmem:s31+$0xFFFFEA00];
	v2 =	vadd.f32 v6, v2;
	v6 =	vmul.f32 v7, v8  }
0x1b1: {  	v33 =	vld [tilespmem:s0+$0xFFFFEC00];
	v32 =	vmul.f32 v32, v42;
	v3 =	vadd.f32 v49, v3  }
0x1b2: {  	v41 =	vld [tilespmem:s31+$0xFFFFEC00];
	v2 =	vadd.f32 v6, v2;
	v6 =	vmul.f32 v31, v30  }
0x1b3: {  	v42 =	vld [tilespmem:s31+$0xFFFFEE00];
	v3 =	vadd.f32 v32, v3  }
0x1b4: {  	v46 =	vld [tilespmem:s0+$0xFFFFEE00];
	v2 =	vadd.f32 v6, v2;
	v6 =	vmul.f32 v29, v28  }
0x1b5: {  	v48 =	vld [tilespmem:s31+$0xFFFFF000];
	v49 =	vmul.f32 v50, v39;
	v3 =	vadd.f32 v45, v3  }
0x1b6: {  	v50 =	vld [tilespmem:s0+$0xFFFFF000];
	v2 =	vadd.f32 v6, v2;
	v6 =	vmul.f32 v27, v26  }
0x1b7: {  	v52 =	vld [tilespmem:s31+$0xFFFFF200];
	v53 =	vmul.f32 v33, v41;
	v3 =	vadd.f32 v49, v3  }
0x1b8: {  	v54 =	vld [tilespmem:s0+$0xFFFFF200];
	v2 =	vadd.f32 v6, v2;
	v6 =	vmul.f32 v25, v24  }
0x1b9: {  	v56 =	vld [tilespmem:s31+$0xFFFFF400];
	v57 =	vmul.f32 v46, v42;
	v3 =	vadd.f32 v53, v3  }
0x1ba: {  	v60 =	vld [tilespmem:s31+$0xFFFFF600];
	v2 =	vadd.f32 v6, v2;
	v6 =	vmul.f32 v23, v22  }
0x1bb: {  	v62 =	vld [tilespmem:s0+$0xFFFFF600];
	v61 =	vmul.f32 v50, v48;
	v3 =	vadd.f32 v57, v3  }
0x1bc: {  	v47 =	vld [tilespmem:s31+$0xFFFFFE00];
	v2 =	vadd.f32 v6, v2;
	v6 =	vmul.f32 v21, v20  }
0x1bd: {  	v51 =	vld [tilespmem:s0+$0x200];
	v40 =	vmul.f32 v54, v52;
	v3 =	vadd.f32 v61, v3  }
0x1be: {  	v52 =	vld [tilespmem:s31+$0x400];
	v2 =	vadd.f32 v6, v2;
	v6 =	vmul.f32 v19, v18  }
0x1bf: {  	v54 =	vld [tilespmem:s31+$0x600];
	v8 =	vmul.f32 v58, v56;
	v3 =	vadd.f32 v40, v3  }
0x1c0: {  	v7 =	vld [tilespmem:s31+$0xFFFFFA00];
	v2 =	vadd.f32 v6, v2;
	v6 =	vmul.f32 v17, v16  }
0x1c1: {  	v46 =	vld [tilespmem:s0+$0xFFFFFC00];
	v3 =	vadd.f32 v8, v3;
	v8 =	vmul.f32 v62, v60  }
0x1c2: {  	v45 =	vld [tilespmem:s31+$0xFFFFFC00];
	v2 =	vadd.f32 v6, v2;
	v6 =	vmul.f32 v15, v13  }
0x1c3: {  	v55 =	vld [tilespmem:s31+$0x800];
	v3 =	vadd.f32 v8, v3;
	v8 =	vmul.f32 v43, v63  }
0x1c4: {  	v48 =	vld [tilespmem:s0+$0xFFFFFE00];
	v2 =	vadd.f32 v6, v2;
	v6 =	vmul.f32 v14, v11  }
0x1c5: {  	v49 =	vld [tilespmem:s31+$0x0];
	v7 =	vmul.f32 v44, v7;
	v3 =	vadd.f32 v8, v3  }
0x1c6: {  	v8 =	vld [tilespmem:s0+$0x0];
	v2 =	vadd.f32 v6, v2;
	v6 =	vmul.f32 v12, v10  }
0x1c7: {  	v50 =	vld [tilespmem:s31+$0x200];
	v3 =	vadd.f32 v7, v3;
	v7 =	vmul.f32 v46, v45  }
0x1c8: {  	v2 =	vadd.f32 v6, v2;
	v6 =	vld [tilespmem:$0x1FFD0]  }
0x1c9: {  	v59 =	vld [tilespmem:s31+$0xC00];
	v3 =	vadd.f32 v7, v3;
	v7 =	vmul.f32 v48, v47  }
0x1ca: {  	v53 =	vld [tilespmem:s0+$0x400]  }
0x1cb: {  	v56 =	vld [tilespmem:s0+$0x800];
	v3 =	vadd.f32 v7, v3;
	v7 =	vmul.f32 v8, v49  }
0x1cc: {  	v8 =	vld [tilespmem:s0+$0x600]  }
0x1cd: {  	v58 =	vld [tilespmem:s0+$0xA00];
	v3 =	vadd.f32 v7, v3;
	v7 =	vmul.f32 v51, v50;
	v6 =	vmul.f32 v9, v6  }
0x1ce: {  	v57 =	vld [tilespmem:s31+$0xA00]  }
0x1cf: {  	v3 =	vadd.f32 v7, v3;
	v7 =	vmul.f32 v53, v52;
	v2 =	vadd.f32 v6, v2;
	v6 =	vld [tilespmem:$0x1FFE0]  }
0x1d0: {  	v61 =	vld [tilespmem:s0+$0x1000]  }
0x1d1: {  	v60 =	vld [tilespmem:s0+$0xE00];
	v3 =	vadd.f32 v7, v3;
	v7 =	vmul.f32 v8, v54  }
0x1d2: {  	v8 =	vld [tilespmem:s0+$0xC00]  }
0x1d3: {  	v10 =	vld [tilespmem:s31+$0x1000];
	v3 =	vadd.f32 v7, v3;
	v7 =	vmul.f32 v56, v55  }
0x1d4: {  	v11 =	vld [tilespmem:s31+$0xE00];
	v4 =	vmul.f32 v4, v6  }
0x1d5: {  	v35 =	vld [tilespmem:s0+$0x1E10];
	v3 =	vadd.f32 v7, v3;
	v7 =	vmul.f32 v58, v57  }
0x1d6: {  	v9 =	vld [tilespmem:s31+$0x1200];
	v2 =	vadd.f32 v4, v2;
	v4 =	vmul.f32 v5, v34  }
0x1d7: {  	v3 =	vadd.f32 v7, v3;
	v7 =	vmul.f32 v8, v59;
	v8 =	vld [tilespmem:s0+$0x1200]  }
0x1d8: {  	v5 =	vmul.f32 v61, v10;
	v10 =	vadd.f32 v4, v2;
	v2 =	vld [tilespmem:$0x1FFF0]  }
0x1d9: {  	v3 =	vadd.f32 v7, v3;
	v7 =	vmul.f32 v60, v11;
	v11 =	vld [tilespmem:s0+$0x1400]  }
0x1da: {  	v6 =	vld [tilespmem:s31+$0x1400]  }
0x1db: {  	v62 =	vld [tilespmem:s31+$0x1600];
	v3 =	vadd.f32 v7, v3  }
0x1dc: {  	v7 =	vld [tilespmem:s0+$0x1600]  }
0x1dd: {  	v8 =	vmul.f32 v8, v9;
	v4 =	vld [tilespmem:s31+$0x1800];
	v3 =	vadd.f32 v5, v3;
	v63 =	vmul.f32 v35, v2  }
0x1de: {  	v5 =	vld [tilespmem:s0+$0x1800]  }
0x1df: {  	v8 =	vadd.f32 v8, v3;
	v2 =	vld [tilespmem:s31+$0x1A00];
	v9 =	vadd.f32 v63, v10;
	v10 =	vmul.f32 v11, v6  }
0x1e0: {  	s1 =	simm.s32 $0x10A40;
	v6 =	vld [tilespmem:s0+$0x1A00]  }
0x1e1: {  	v3 =	vld [tilespmem:s31+$0x1C00];
	[tilespmem:s1+$0x0] =	vst v9;
	v8 =	vadd.f32 v10, v8;
	v9 =	vmul.f32 v7, v62  }
0x1e2: {  	s3 =	simm.s32 $0x0;
	s16 =	simm.s32 $0x430;
	v7 =	vld [tilespmem:s0+$0x1C00]  }
.LBB2_6:
0x1e3: {  	v10 =	vld [tilespmem:s16+$0x0];
	s3 =	sadd.s32 $0x20, s3;
	v8 =	vadd.f32 v9, v8;
	v4 =	vmul.f32 v5, v4  }
0x1e4: {  	v5 =	vld [tilespmem:s16+$0xFFFFFFF0];
	p0 =	slt.u32 s3, $0x1E0  }
0x1e5: {  	v4 =	vadd.f32 v4, v8;
	v2 =	vmul.f32 v6, v2;
	v6 =	vld [tilespmem:s31+$0x1E00]  }
0x1e6: {  	v8 =	vld [tilespmem:s0+$0x1E00]  }
0x1e7: {  	s30 =	sadd.s32 $0x20, s30;
	v9 =	vld [tilespmem:$0x10A20];
	v2 =	vadd.f32 v2, v4;
	v3 =	vmul.f32 v7, v3  }
0x1e8: {  	s5 =	sadd.s32 $0x20, s5;
	v4 =	vand.u32 $0xF, v10;
	v7 =	vld [tilespmem:s30+$0x0]  }
0x1e9: {  	s31 =	sadd.s32 $0x20, s31;
	v11 =	vand.u32 $0xF, v5;
	v12 =	vperm.xlane v0, v4;
	v4 =	vperm.xlane v1, v4;
	v13 =	vld [tilespmem:s5+$0x0]  }
0x1ea: {  	s0 =	sadd.s32 $0x20, s0;
	vm0 =	vlt.s32 v10, $0x10;
	v14 =	vperm.xlane v0, v11;
	v11 =	vperm.xlane v1, v11;
	v10 =	vld [tilespmem:s31+$0xFFFFE010]  }
0x1eb: {  	vm1 =	vlt.s32 v5, $0x10;
	v3 =	vadd.f32 v3, v2;
	v4 =	vsel vm0, v12, v4;
	v5 =	vld [tilespmem:s0+$0xFFFFE010]  }
0x1ec: {  	v6 =	vmul.f32 v8, v6;
	v2 =	vsel vm1, v14, v11;
	v4 =	vadd.f32 v4, v9;
	v11 =	vld [tilespmem:s31+$0xFFFFE210]  }
0x1ed: {  	v2 =	vadd.f32 v9, v2;
	v8 =	vld [tilespmem:s0+$0xFFFFE210]  }
0x1ee: {  	v3 =	vadd.f32 v6, v3;
	v4 =	vadd.f32 v4, v13;
	v9 =	vld [tilespmem:s31+$0xFFFFE410]  }
0x1ef: {  	v6 =	vld [tilespmem:s0+$0xFFFFE410]  }
0x1f0: {  	v4 =	vadd.f32 v4, v7;
	v5 =	vmul.f32 v5, v10;
	v7 =	vld [tilespmem:s31+$0xFFFFE610];
	[tilespmem:s1+$0xFFFFFFF0] =	vst v3  }
0x1f1: {  	v3 =	vld [tilespmem:s0+$0xFFFFE610]  }
0x1f2: {  	v4 =	vadd.f32 v5, v4;
	v5 =	vmul.f32 v8, v11;
	v8 =	vld [tilespmem:s31+$0xFFFFE810]  }
0x1f3: {  	v10 =	vld [tilespmem:s0+$0xFFFFE810]  }
0x1f4: {  	v4 =	vadd.f32 v5, v4;
	v5 =	vmul.f32 v6, v9;
	v6 =	vld [tilespmem:s31+$0xFFFFEA10]  }
0x1f5: {  	v9 =	vld [tilespmem:s0+$0xFFFFEA10]  }
0x1f6: {  	v4 =	vadd.f32 v5, v4;
	v3 =	vmul.f32 v3, v7;
	v5 =	vld [tilespmem:s31+$0xFFFFEC10]  }
0x1f7: {  	v7 =	vld [tilespmem:s0+$0xFFFFEC10]  }
0x1f8: {  	v3 =	vadd.f32 v3, v4;
	v4 =	vmul.f32 v10, v8;
	v8 =	vld [tilespmem:s31+$0xFFFFEE10]  }
0x1f9: {  	v10 =	vld [tilespmem:s0+$0xFFFFEE10]  }
0x1fa: {  	v3 =	vadd.f32 v4, v3;
	v4 =	vmul.f32 v9, v6;
	v6 =	vld [tilespmem:s31+$0xFFFFF010]  }
0x1fb: {  	v9 =	vld [tilespmem:s0+$0xFFFFF010]  }
0x1fc: {  	v3 =	vadd.f32 v4, v3;
	v4 =	vmul.f32 v7, v5;
	v5 =	vld [tilespmem:s31+$0xFFFFF210]  }
0x1fd: {  	v7 =	vld [tilespmem:s0+$0xFFFFF210]  }
0x1fe: {  	v3 =	vadd.f32 v4, v3;
	v4 =	vmul.f32 v10, v8;
	v8 =	vld [tilespmem:s31+$0xFFFFF410]  }
0x1ff: {  	v10 =	vld [tilespmem:s0+$0xFFFFF410]  }
0x200: {  	v3 =	vadd.f32 v4, v3;
	v4 =	vmul.f32 v9, v6;
	v6 =	vld [tilespmem:s31+$0xFFFFF610]  }
0x201: {  	v9 =	vld [tilespmem:s0+$0xFFFFF610]  }
0x202: {  	v3 =	vadd.f32 v4, v3;
	v4 =	vmul.f32 v7, v5;
	v5 =	vld [tilespmem:s31+$0xFFFFF810]  }
0x203: {  	v7 =	vld [tilespmem:s0+$0xFFFFF810]  }
0x204: {  	v3 =	vadd.f32 v4, v3;
	v4 =	vmul.f32 v10, v8;
	v8 =	vld [tilespmem:s31+$0xFFFFFA10]  }
0x205: {  	v10 =	vld [tilespmem:s0+$0xFFFFFA10]  }
0x206: {  	v3 =	vadd.f32 v4, v3;
	v4 =	vmul.f32 v9, v6;
	v6 =	vld [tilespmem:s31+$0xFFFFFC10]  }
0x207: {  	v9 =	vld [tilespmem:s0+$0xFFFFFC10]  }
0x208: {  	v3 =	vadd.f32 v4, v3;
	v4 =	vmul.f32 v7, v5;
	v5 =	vld [tilespmem:s31+$0xFFFFFE10]  }
0x209: {  	v7 =	vld [tilespmem:s0+$0xFFFFFE10]  }
0x20a: {  	v3 =	vadd.f32 v4, v3;
	v4 =	vmul.f32 v10, v8;
	v8 =	vld [tilespmem:s31+$0x10]  }
0x20b: {  	v10 =	vld [tilespmem:s0+$0x10]  }
0x20c: {  	v3 =	vadd.f32 v4, v3;
	v4 =	vmul.f32 v9, v6;
	v6 =	vld [tilespmem:s31+$0x210]  }
0x20d: {  	v9 =	vld [tilespmem:s0+$0x210]  }
0x20e: {  	v3 =	vadd.f32 v4, v3;
	v4 =	vmul.f32 v7, v5;
	v5 =	vld [tilespmem:s31+$0x410]  }
0x20f: {  	v7 =	vld [tilespmem:s0+$0x410]  }
0x210: {  	v3 =	vadd.f32 v4, v3;
	v4 =	vmul.f32 v10, v8;
	v8 =	vld [tilespmem:s31+$0x610]  }
0x211: {  	v10 =	vld [tilespmem:s0+$0x610]  }
0x212: {  	v3 =	vadd.f32 v4, v3;
	v4 =	vmul.f32 v9, v6;
	v6 =	vld [tilespmem:s31+$0x810]  }
0x213: {  	v9 =	vld [tilespmem:s0+$0x810]  }
0x214: {  	v3 =	vadd.f32 v4, v3;
	v4 =	vmul.f32 v7, v5;
	v5 =	vld [tilespmem:s31+$0xA10]  }
0x215: {  	v7 =	vld [tilespmem:s0+$0xA10]  }
0x216: {  	v3 =	vadd.f32 v4, v3;
	v4 =	vmul.f32 v10, v8;
	v8 =	vld [tilespmem:s31+$0xC10]  }
0x217: {  	v10 =	vld [tilespmem:s0+$0xC10]  }
0x218: {  	v3 =	vadd.f32 v4, v3;
	v4 =	vmul.f32 v9, v6;
	v6 =	vld [tilespmem:s31+$0xE10]  }
0x219: {  	v9 =	vld [tilespmem:s0+$0xE10]  }
0x21a: {  	v3 =	vadd.f32 v4, v3;
	v4 =	vmul.f32 v7, v5;
	v5 =	vld [tilespmem:s31+$0x1010]  }
0x21b: {  	v7 =	vld [tilespmem:s0+$0x1010]  }
0x21c: {  	v3 =	vadd.f32 v4, v3;
	v4 =	vmul.f32 v10, v8;
	v8 =	vld [tilespmem:s31+$0x1210]  }
0x21d: {  	v10 =	vld [tilespmem:s0+$0x1210]  }
0x21e: {  	v3 =	vadd.f32 v4, v3;
	v4 =	vmul.f32 v9, v6;
	v6 =	vld [tilespmem:s31+$0x1410]  }
0x21f: {  	v9 =	vld [tilespmem:s0+$0x1410]  }
0x220: {  	v3 =	vadd.f32 v4, v3;
	v4 =	vmul.f32 v7, v5;
	v5 =	vld [tilespmem:s31+$0x1610]  }
0x221: {  	v7 =	vld [tilespmem:s0+$0x1610]  }
0x222: {  	v3 =	vadd.f32 v4, v3;
	v4 =	vmul.f32 v10, v8;
	v8 =	vld [tilespmem:s31+$0x1810]  }
0x223: {  	v10 =	vld [tilespmem:s0+$0x1810]  }
0x224: {  	v3 =	vadd.f32 v4, v3;
	v4 =	vmul.f32 v9, v6;
	v6 =	vld [tilespmem:s31+$0x1A10]  }
0x225: {  	v9 =	vld [tilespmem:s0+$0x1A10]  }
0x226: {  	v3 =	vadd.f32 v4, v3;
	v4 =	vmul.f32 v7, v5;
	v5 =	vld [tilespmem:s31+$0x1C10]  }
0x227: {  	v7 =	vld [tilespmem:s0+$0x1C10]  }
0x228: {  	v3 =	vadd.f32 v4, v3;
	v4 =	vmul.f32 v10, v8;
	v8 =	vld [tilespmem:s31+$0x1E10]  }
0x229: {  	v10 =	vld [tilespmem:s0+$0x1E10]  }
0x22a: {  	v11 =	vld [tilespmem:s5+$0xFFFFFFF0];
	v3 =	vadd.f32 v4, v3;
	v4 =	vmul.f32 v9, v6  }
0x22b: {  	v6 =	vld [tilespmem:s30+$0xFFFFFFF0]  }
0x22c: {  	v9 =	vld [tilespmem:s31+$0xFFFFE000];
	v3 =	vadd.f32 v4, v3;
	v4 =	vmul.f32 v7, v5  }
0x22d: {  	v5 =	vld [tilespmem:s0+$0xFFFFE000]  }
0x22e: {  	v7 =	vld [tilespmem:s31+$0xFFFFE200];
	v3 =	vadd.f32 v4, v3;
	v4 =	vmul.f32 v10, v8  }
0x22f: {  	v2 =	vadd.f32 v11, v2;
	v8 =	vld [tilespmem:s0+$0xFFFFE200]  }
0x230: {  	v10 =	vld [tilespmem:s31+$0xFFFFE400];
	v3 =	vadd.f32 v4, v3  }
0x231: {  	s1 =	sadd.s32 $0x20, s1;
	v2 =	vadd.f32 v6, v2;
	v4 =	vld [tilespmem:s0+$0xFFFFE400]  }
0x232: {  	v5 =	vmul.f32 v5, v9;
	v6 =	vld [tilespmem:s31+$0xFFFFE600];
	[tilespmem:s1+$0x0] =	vst v3  }
0x233: {  	v3 =	vld [tilespmem:s0+$0xFFFFE600]  }
0x234: {  	v2 =	vadd.f32 v5, v2;
	v5 =	vmul.f32 v8, v7;
	v7 =	vld [tilespmem:s31+$0xFFFFE800]  }
0x235: {  	v8 =	vld [tilespmem:s0+$0xFFFFE800]  }
0x236: {  	v2 =	vadd.f32 v5, v2;
	v4 =	vmul.f32 v4, v10;
	v5 =	vld [tilespmem:s31+$0xFFFFEA00]  }
0x237: {  	v9 =	vld [tilespmem:s0+$0xFFFFEA00]  }
0x238: {  	v2 =	vadd.f32 v4, v2;
	v3 =	vmul.f32 v3, v6;
	v4 =	vld [tilespmem:s31+$0xFFFFEC00]  }
0x239: {  	v6 =	vld [tilespmem:s0+$0xFFFFEC00]  }
0x23a: {  	v2 =	vadd.f32 v3, v2;
	v3 =	vmul.f32 v8, v7;
	v7 =	vld [tilespmem:s31+$0xFFFFEE00]  }
0x23b: {  	v8 =	vld [tilespmem:s0+$0xFFFFEE00]  }
0x23c: {  	v2 =	vadd.f32 v3, v2;
	v3 =	vmul.f32 v9, v5;
	v5 =	vld [tilespmem:s31+$0xFFFFF000]  }
0x23d: {  	v9 =	vld [tilespmem:s0+$0xFFFFF000]  }
0x23e: {  	v2 =	vadd.f32 v3, v2;
	v3 =	vmul.f32 v6, v4;
	v4 =	vld [tilespmem:s31+$0xFFFFF200]  }
0x23f: {  	v6 =	vld [tilespmem:s0+$0xFFFFF200]  }
0x240: {  	v2 =	vadd.f32 v3, v2;
	v3 =	vmul.f32 v8, v7;
	v7 =	vld [tilespmem:s31+$0xFFFFF400]  }
0x241: {  	v8 =	vld [tilespmem:s0+$0xFFFFF400]  }
0x242: {  	v2 =	vadd.f32 v3, v2;
	v3 =	vmul.f32 v9, v5;
	v5 =	vld [tilespmem:s31+$0xFFFFF600]  }
0x243: {  	v9 =	vld [tilespmem:s0+$0xFFFFF600]  }
0x244: {  	v2 =	vadd.f32 v3, v2;
	v3 =	vmul.f32 v6, v4;
	v4 =	vld [tilespmem:s31+$0xFFFFF800]  }
0x245: {  	v6 =	vld [tilespmem:s0+$0xFFFFF800]  }
0x246: {  	v2 =	vadd.f32 v3, v2;
	v3 =	vmul.f32 v8, v7;
	v7 =	vld [tilespmem:s31+$0xFFFFFA00]  }
0x247: {  	v8 =	vld [tilespmem:s0+$0xFFFFFA00]  }
0x248: {  	v2 =	vadd.f32 v3, v2;
	v3 =	vmul.f32 v9, v5;
	v5 =	vld [tilespmem:s31+$0xFFFFFC00]  }
0x249: {  	v9 =	vld [tilespmem:s0+$0xFFFFFC00]  }
0x24a: {  	v2 =	vadd.f32 v3, v2;
	v3 =	vmul.f32 v6, v4;
	v4 =	vld [tilespmem:s31+$0xFFFFFE00]  }
0x24b: {  	v6 =	vld [tilespmem:s0+$0xFFFFFE00]  }
0x24c: {  	v2 =	vadd.f32 v3, v2;
	v3 =	vmul.f32 v8, v7;
	v7 =	vld [tilespmem:s31+$0x0]  }
0x24d: {  	v8 =	vld [tilespmem:s0+$0x0]  }
0x24e: {  	v2 =	vadd.f32 v3, v2;
	v3 =	vmul.f32 v9, v5;
	v5 =	vld [tilespmem:s31+$0x200]  }
0x24f: {  	v9 =	vld [tilespmem:s0+$0x200]  }
0x250: {  	v2 =	vadd.f32 v3, v2;
	v3 =	vmul.f32 v6, v4;
	v4 =	vld [tilespmem:s31+$0x400]  }
0x251: {  	v6 =	vld [tilespmem:s0+$0x400]  }
0x252: {  	v2 =	vadd.f32 v3, v2;
	v3 =	vmul.f32 v8, v7;
	v7 =	vld [tilespmem:s31+$0x600]  }
0x253: {  	v8 =	vld [tilespmem:s0+$0x600]  }
0x254: {  	v2 =	vadd.f32 v3, v2;
	v3 =	vmul.f32 v9, v5;
	v5 =	vld [tilespmem:s31+$0x800]  }
0x255: {  	v9 =	vld [tilespmem:s0+$0x800]  }
0x256: {  	v2 =	vadd.f32 v3, v2;
	v3 =	vmul.f32 v6, v4;
	v4 =	vld [tilespmem:s31+$0xA00]  }
0x257: {  	v6 =	vld [tilespmem:s0+$0xA00]  }
0x258: {  	v2 =	vadd.f32 v3, v2;
	v3 =	vmul.f32 v8, v7;
	v7 =	vld [tilespmem:s31+$0xC00]  }
0x259: {  	v8 =	vld [tilespmem:s0+$0xC00]  }
0x25a: {  	v2 =	vadd.f32 v3, v2;
	v3 =	vmul.f32 v9, v5;
	v5 =	vld [tilespmem:s31+$0xE00]  }
0x25b: {  	v9 =	vld [tilespmem:s0+$0xE00]  }
0x25c: {  	v2 =	vadd.f32 v3, v2;
	v3 =	vmul.f32 v6, v4;
	v4 =	vld [tilespmem:s31+$0x1000]  }
0x25d: {  	v6 =	vld [tilespmem:s0+$0x1000]  }
0x25e: {  	v2 =	vadd.f32 v3, v2;
	v3 =	vmul.f32 v8, v7;
	v7 =	vld [tilespmem:s31+$0x1200]  }
0x25f: {  	v8 =	vld [tilespmem:s0+$0x1200]  }
0x260: {  	v2 =	vadd.f32 v3, v2;
	v3 =	vmul.f32 v9, v5;
	v9 =	vld [tilespmem:s31+$0x1400]  }
0x261: {  	v10 =	vld [tilespmem:s0+$0x1400]  }
0x262: {  	v2 =	vadd.f32 v3, v2;
	v3 =	vmul.f32 v6, v4;
	v11 =	vld [tilespmem:s31+$0x1600]  }
0x263: {  	v12 =	vld [tilespmem:s0+$0x1600]  }
0x264: {  	v2 =	vadd.f32 v3, v2;
	v3 =	vmul.f32 v8, v7;
	v4 =	vld [tilespmem:s31+$0x1800]  }
.Ltmp2:
0x265: {  	v5 =	vld [tilespmem:s0+$0x1800];
	(pc) =	sbr.rel @p0 .LBB2_6-.Ltmp2, $4  }
0x266: {  	v3 =	vadd.f32 v3, v2;
	v7 =	vmul.f32 v10, v9;
	v2 =	vld [tilespmem:s31+$0x1A00]  }
0x267: {  	v6 =	vld [tilespmem:s0+$0x1A00]  }
0x268: {  	v8 =	vadd.f32 v7, v3;
	v9 =	vmul.f32 v12, v11;
	v3 =	vld [tilespmem:s31+$0x1C00]  }
0x269: {  	s16 =	sadd.s32 $0x20, s16;
	v7 =	vld [tilespmem:s0+$0x1C00]  }
0x26a: {  	v0 =	vadd.f32 v9, v8;
	v1 =	vmul.f32 v5, v4;
	v59 =	vld [tilespmem:s31+$0x1E00]  }
0x26b: {  	v60 =	vld [tilespmem:s0+$0x1E00]  }
0x26c: {  	v0 =	vadd.f32 v1, v0;
	v61 =	vmul.f32 v6, v2;
	_ =	sdelay $0x1  }
0x26d: {  	v0 =	vadd.f32 v61, v0;
	v62 =	vmul.f32 v7, v3;
	_ =	sdelay $0x1  }
0x26e: {  	v63 =	vmul.f32 v60, v59;
	v0 =	vadd.f32 v62, v0;
	_ =	sdelay $0x1  }
0x26f: {  	s29 =	sadd.s32 $0x1, s29;
	v0 =	vadd.f32 v63, v0  }
0x270: {  	p0 =	sne.s32 s29, s13  }
.Ltmp3:
0x271: {  	[tilespmem:s1+$0xFFFFFFF0] =	vst v0;
	(pc) =	sbr.rel @p0 .LBB2_1-.Ltmp3, $4  }
0x272: {  	[hbm4b:s12+s4] =	stream.linear.scatter [tilespmem:s28], [sflag:$0x2], $0x200, $0x38;
	[tilespmem:$0x10C30] =	vst v63  }
0x273: {  	_ =	swait.ge [sflag:s14], $0x200  }
0x274: {  	[sflag:s14] =	ssyncset.done $0x0  }
0x275: {  	[sflag:s14] =	ssyncadd.s32 $0xFFFFFE00  }
0x276: {  	_ =	sfence.sel $0x180000  }
0x277: {  	[bflag:$0x0] =	sbarrier.arrive $0xFFFF  }
0x278: {  	_ =	strace $0x90000047  }
0x279: {  	s0 =	stileid.u32;
	[bflag:$0x2] =	sbarrier.arrive $0xFFFF  }
0x27a: {  	p0 =	sne.s32 s0, $0x0;
	s0 =	rddreg [dreg:$0x7]  }
0x27b: {  	s0 =	sadd.s32 @!p0 $0x100000, s0  }
0x27c: {  	[sflag:s0] =	ssyncadd.tile.s32 @!p0 $0x1;
	_ =	shalt  }
.Lfunc_end2:
_tile_overlayer_lowered:
.L_overlay_start_2:
0x27d: {  	(tag) =	ssettag $0x2  }
0x27e: {  	s0 =	rddreg [dreg:$0x0];
	s2 =	stileid.u32  }
0x27f: {  	s1 =	rddreg [dreg:$0x1];
	p0 =	sne.s32 s2, $0x0  }
0x280: {  	s3 =	rddreg [dreg:$0x2];
	[bflag:$0x3] =	sbarrier.arrive $0xFFFF;
	s2 =	simm.s32 @!p0 $0x1C02  }
0x281: {  	[timem:s3], [sflag:s2] =	dma.local @!p0 [hbm:s0], s1  }
0x282: {  	s0 =	simm.s32 @!p0 $0x2  }
0x283: {  	_ =	swait.ge @!p0 [sflag:s0], s1  }
0x284: {  	s1 =	ssub.s32 @!p0 $0x0, s1;
	[sflag:s0] =	ssyncset.done @!p0 $0x0  }
0x285: {  	[sflag:s0] =	ssyncadd.s32 @!p0 s1  }
0x286: {  	[bflag:$0x3] =	sbarrier.arrive $0xFFFF  }
0x287: {  	_ =	shalt  }

</sc_bundles>
